<compile_context>
chip_gen: v7x
topology: tpu7x:2x2x1
jax: 0.10.2.dev20260603
libtpu: 0.0.44.dev20260713+nightly
codegen_flags: <defaults>
</compile_context>

<pallas_src>
import jax
import jax.numpy as jnp
from jax import lax
from jax.experimental import pallas as pl
from jax.experimental.pallas import tpu as pltpu
from jax.experimental.pallas import tpu_sc as plsc

_BATCH = 4096
_IN_DIM = 2048
_OUT_DIM = 2048
_NC = 2
_NS = 16
_NW = _NC * _NS
_ROWS_PER_W = _BATCH // _NW
_CHUNK = 8
_N_CHUNKS = _ROWS_PER_W // _CHUNK
_LANES = 16
_OB = _OUT_DIM // _LANES

_C0 = (0., 0., 0., 0., 0., 0., 0., 0., 1., 1., 1., 1., 1., 1., 1., 1.)
_C1 = (0., 0., 1., 1., 0., 0., 1., 1., -1., -1., 0., 0., -1., -1., 0., 0.)
_C2 = (0., 0., 0., 0., 1., 1., 1., 1., -1., -1., -1., -1., 0., 0., 0., 0.)
_C3 = (0., 1., -1., 0., -1., 0., -2., -1., 1., 2., 0., 1., 0., 1., -1., 0.)


def _coeff_body(wt_ref, cm_ref, cf_ref):
    wt = wt_ref[...]
    m = jnp.max(wt, axis=0, keepdims=True)
    e = jnp.exp(wt - m)
    s = jnp.sum(e, axis=0, keepdims=True)
    sm = e / s
    cf_ref[...] = jax.lax.dot_general(
        cm_ref[...], sm, (((1,), (0,)), ((), ())),
        preferred_element_type=jnp.float32)


def _coeffs(weights):
    cm = jnp.asarray([_C0, _C1, _C2, _C3] + [[0.0] * 16] * 4, jnp.float32)
    return pl.pallas_call(
        _coeff_body,
        out_shape=jax.ShapeDtypeStruct((8, _OUT_DIM), jnp.float32),
    )(weights.T, cm)


def _sc_body(x_hbm, cf_hbm, i0_hbm, i1_hbm, out_hbm,
             xbuf0, xbuf1, obuf0, obuf1, i0v, i1v, av, bv, cv, dv,
             sem_i0, sem_i1, sem_o0, sem_o1, sem_init):
    wid = lax.axis_index("s") * _NC + lax.axis_index("c")
    base = wid * _ROWS_PER_W
    init_copies = [
        pltpu.make_async_copy(i0_hbm, i0v, sem_init),
        pltpu.make_async_copy(i1_hbm, i1v, sem_init),
        pltpu.make_async_copy(cf_hbm.at[0], av, sem_init),
        pltpu.make_async_copy(cf_hbm.at[1], bv, sem_init),
        pltpu.make_async_copy(cf_hbm.at[2], cv, sem_init),
        pltpu.make_async_copy(cf_hbm.at[3], dv, sem_init),
    ]
    for cp in init_copies:
        cp.start()

    xbufs = (xbuf0, xbuf1)
    obufs = (obuf0, obuf1)
    sin = (sem_i0, sem_i1)
    sout = (sem_o0, sem_o1)

    def in_copy(c, bi):
        return pltpu.make_async_copy(
            x_hbm.at[pl.ds(base + c * _CHUNK, _CHUNK)], xbufs[bi], sin[bi])

    def out_copy(c, bi):
        return pltpu.make_async_copy(
            obufs[bi], out_hbm.at[pl.ds(base + c * _CHUNK, _CHUNK)],
            sout[bi])

    def compute(xb, ob_ref):
        @plsc.parallel_loop(0, _OB, 1, unroll=2)
        def body(ob):
            o16 = ob * _LANES
            idx0 = i0v[pl.ds(o16, _LANES)]
            idx1 = i1v[pl.ds(o16, _LANES)]
            ca = av[pl.ds(o16, _LANES)]
            cb = bv[pl.ds(o16, _LANES)]
            cc = cv[pl.ds(o16, _LANES)]
            cd = dv[pl.ds(o16, _LANES)]
            for r in range(_CHUNK):
                rsp = jnp.full((_LANES,), r, jnp.int32)
                a = plsc.load_gather(xb, [rsp, idx0])
                b = plsc.load_gather(xb, [rsp, idx1])
                ob_ref[r, pl.ds(o16, _LANES)] = (
                    (ca + cc * b) + a * (cb + cd * b))

    n_pairs = _N_CHUNKS // 2
    in_copy(0, 0).start()
    for cp in init_copies:
        cp.wait()

    def pair(p, carry):
        c0 = p * 2
        c1 = c0 + 1
        in_copy(c0, 0).wait()
        in_copy(c1, 1).start()

        @pl.when(p >= 1)
        def _():
            out_copy(c0 - 2, 0).wait()

        compute(xbufs[0], obufs[0])
        out_copy(c0, 0).start()

        in_copy(c1, 1).wait()

        @pl.when(p <= n_pairs - 2)
        def _():
            in_copy(c0 + 2, 0).start()

        @pl.when(p >= 1)
        def _():
            out_copy(c1 - 2, 1).wait()

        compute(xbufs[1], obufs[1])
        out_copy(c1, 1).start()
        return carry

    lax.fori_loop(0, n_pairs, pair, 0)
    out_copy(_N_CHUNKS - 2, 0).wait()
    out_copy(_N_CHUNKS - 1, 1).wait()


def kernel(x, weights, selected_inputs):
    cf = _coeffs(weights)
    i0 = selected_inputs[:, 0]
    i1 = selected_inputs[:, 1]
    mesh = plsc.VectorSubcoreMesh(core_axis_name="c", subcore_axis_name="s")
    f = pl.kernel(
        _sc_body,
        mesh=mesh,
        compiler_params=pltpu.CompilerParams(needs_layout_passes=False),
        out_type=jax.ShapeDtypeStruct((_BATCH, _OUT_DIM), jnp.float32),
        scratch_types=[
            pltpu.VMEM((_CHUNK, _IN_DIM), jnp.float32),
            pltpu.VMEM((_CHUNK, _IN_DIM), jnp.float32),
            pltpu.VMEM((_CHUNK, _OUT_DIM), jnp.float32),
            pltpu.VMEM((_CHUNK, _OUT_DIM), jnp.float32),
            pltpu.VMEM((_OUT_DIM,), jnp.int32),
            pltpu.VMEM((_OUT_DIM,), jnp.int32),
            pltpu.VMEM((_OUT_DIM,), jnp.float32),
            pltpu.VMEM((_OUT_DIM,), jnp.float32),
            pltpu.VMEM((_OUT_DIM,), jnp.float32),
            pltpu.VMEM((_OUT_DIM,), jnp.float32),
            pltpu.SemaphoreType.DMA,
            pltpu.SemaphoreType.DMA,
            pltpu.SemaphoreType.DMA,
            pltpu.SemaphoreType.DMA,
            pltpu.SemaphoreType.DMA,
        ],
    )
    return f(x, cf, i0, i1)

# --- scband reference (transcript-rebuilt; emitter-appended) ---
"""Pipeline reference for scband-base-logic-layer-27075473834525 (READ-ONLY COPY).

The authoritative reference and input builder live on the scoring server;
editing this copy changes nothing except your own understanding.
"""

import jax, jax.numpy as jnp
import numpy as np

BATCH = 4096
IN_DIM = 2048
OUT_DIM = 2048


def setup_inputs(seed: int = 0) -> dict:
    key = jax.random.key(seed)
    k1, k2, k3 = jax.random.split(key, 3)
    x = jax.random.uniform(k1, (BATCH, IN_DIM), dtype=jnp.float32)
    # learned gate weights, init randn * 0.1 as in the torch module
    weights = jax.random.normal(k2, (OUT_DIM, 16), dtype=jnp.float32) * 0.1
    # fixed random connections buffer: 2 input indices per output neuron
    selected_inputs = jax.random.randint(k3, (OUT_DIM, 2), 0, IN_DIM, dtype=jnp.int32)
    return {"x": x, "weights": weights, "selected_inputs": selected_inputs}


def _bin_op_vectorized(a, b, w):
    ab = a * b
    ab2 = 2 * ab
    op0 = jnp.zeros_like(a)
    op1 = ab
    op2 = a - ab
    op3 = a
    op4 = b - ab
    op5 = b
    op6 = a + b - ab2
    op7 = a + b - ab
    op8 = 1 - (a + b - ab)
    op9 = 1 - (a + b - ab2)
    op10 = 1 - b
    op11 = 1 - b + ab
    op12 = 1 - a
    op13 = 1 - a + ab
    op14 = 1 - ab
    op15 = jnp.ones_like(a)
    ops = jnp.stack([op0, op1, op2, op3, op4, op5, op6, op7,
                     op8, op9, op10, op11, op12, op13, op14, op15], axis=-1)
    return jnp.einsum('bod,od->bo', ops, w)


def reference(x, weights, selected_inputs):
    # gather the two fixed inputs per output neuron
    a = jnp.take(x, selected_inputs[:, 0], axis=1)
    b = jnp.take(x, selected_inputs[:, 1], axis=1)
    # soft gate-mixture weights (softmax over the 16 ops)
    w = jax.nn.softmax(weights, axis=-1)
    return _bin_op_vectorized(a, b, w)

if __name__ == "__main__":
    import jax
    _d = setup_inputs()
    print(jax.jit(kernel)(*tuple(_d.values())))

</pallas_src>

<mosaic_0001>
#map = affine_map<(d0, d1) -> (0, 0)>
#map1 = affine_map<(d0, d1) -> (0)>
module attributes {stable_mosaic.version = 14 : i64} {
  func.func @_sc_body(%arg0: i32, %arg1: i32, %arg2: memref<4096x2048xf32, #tpu.memory_space<hbm>>, %arg3: memref<8x2048xf32, #tpu.memory_space<hbm>>, %arg4: memref<2048xi32, #tpu.memory_space<hbm>>, %arg5: memref<2048xi32, #tpu.memory_space<hbm>>, %arg6: memref<4096x2048xf32, #tpu.memory_space<hbm>>, %arg7: memref<8x2048xf32, #tpu.memory_space<vmem>>, %arg8: memref<8x2048xf32, #tpu.memory_space<vmem>>, %arg9: memref<8x2048xf32, #tpu.memory_space<vmem>>, %arg10: memref<8x2048xf32, #tpu.memory_space<vmem>>, %arg11: memref<2048xi32, #tpu.memory_space<vmem>>, %arg12: memref<2048xi32, #tpu.memory_space<vmem>>, %arg13: memref<2048xf32, #tpu.memory_space<vmem>>, %arg14: memref<2048xf32, #tpu.memory_space<vmem>>, %arg15: memref<2048xf32, #tpu.memory_space<vmem>>, %arg16: memref<2048xf32, #tpu.memory_space<vmem>>, %arg17: memref<!tpu.dma_semaphore, #tpu.memory_space<semaphore_mem>>, %arg18: memref<!tpu.dma_semaphore, #tpu.memory_space<semaphore_mem>>, %arg19: memref<!tpu.dma_semaphore, #tpu.memory_space<semaphore_mem>>, %arg20: memref<!tpu.dma_semaphore, #tpu.memory_space<semaphore_mem>>, %arg21: memref<!tpu.dma_semaphore, #tpu.memory_space<semaphore_mem>>) attributes {dimension_semantics = [#tpu.dimension_semantics<core_parallel>, #tpu.dimension_semantics<subcore_parallel>], iteration_bounds = array<i64: 2, 16>, scalar_prefetch = 0 : i64, scratch_operands = 15 : i64, tpu.core_type = #tpu.core_type<sc_vector_subcore>, window_params = [{transform_indices = #map}, {transform_indices = #map}, {transform_indices = #map1}, {transform_indices = #map1}, {transform_indices = #map}]} {
    %mul3A = arith.constant 2 : i32
    %mul3A_0 = arith.muli %arg1, %mul3A : i32
    %add3A = arith.addi %mul3A_0, %arg0 : i32
    %mul3A_1 = arith.constant 128 : i32
    %mul3A_2 = arith.muli %add3A, %mul3A_1 : i32
    tpu.enqueue_dma source(%arg4 : memref<2048xi32, #tpu.memory_space<hbm>>) target(%arg11 : memref<2048xi32, #tpu.memory_space<vmem>>) target_semaphore(%arg21 : memref<!tpu.dma_semaphore, #tpu.memory_space<semaphore_mem>>)
    tpu.enqueue_dma source(%arg5 : memref<2048xi32, #tpu.memory_space<hbm>>) target(%arg12 : memref<2048xi32, #tpu.memory_space<vmem>>) target_semaphore(%arg21 : memref<!tpu.dma_semaphore, #tpu.memory_space<semaphore_mem>>)
    %dma_start3A = arith.constant 0 : i32
    %dma_start3A_3 = arith.constant 0 : i32
    %dma_start3A_4 = tpu.memref_slice %arg3[%dma_start3A, %dma_start3A_3] : memref<8x2048xf32, #tpu.memory_space<hbm>> -> memref<1x2048xf32, #tpu.memory_space<hbm>>
    %dma_start3A_5 = tpu.memref_squeeze %dma_start3A_4 : memref<1x2048xf32, #tpu.memory_space<hbm>> -> memref<2048xf32, #tpu.memory_space<hbm>>
    %dma_start3A_6 = arith.constant 0 : i32
    %dma_start3A_7 = tpu.memref_slice %arg3[%dma_start3A, %dma_start3A_6] : memref<8x2048xf32, #tpu.memory_space<hbm>> -> memref<1x2048xf32, #tpu.memory_space<hbm>>
    %dma_start3A_8 = tpu.memref_squeeze %dma_start3A_7 : memref<1x2048xf32, #tpu.memory_space<hbm>> -> memref<2048xf32, #tpu.memory_space<hbm>>
    tpu.enqueue_dma source(%dma_start3A_8 : memref<2048xf32, #tpu.memory_space<hbm>>) target(%arg13 : memref<2048xf32, #tpu.memory_space<vmem>>) target_semaphore(%arg21 : memref<!tpu.dma_semaphore, #tpu.memory_space<semaphore_mem>>)
    %dma_start3A_9 = arith.constant 1 : i32
    %dma_start3A_10 = arith.constant 0 : i32
    %dma_start3A_11 = tpu.memref_slice %arg3[%dma_start3A_9, %dma_start3A_10] : memref<8x2048xf32, #tpu.memory_space<hbm>> -> memref<1x2048xf32, #tpu.memory_space<hbm>>
    %dma_start3A_12 = tpu.memref_squeeze %dma_start3A_11 : memref<1x2048xf32, #tpu.memory_space<hbm>> -> memref<2048xf32, #tpu.memory_space<hbm>>
    %dma_start3A_13 = arith.constant 0 : i32
    %dma_start3A_14 = tpu.memref_slice %arg3[%dma_start3A_9, %dma_start3A_13] : memref<8x2048xf32, #tpu.memory_space<hbm>> -> memref<1x2048xf32, #tpu.memory_space<hbm>>
    %dma_start3A_15 = tpu.memref_squeeze %dma_start3A_14 : memref<1x2048xf32, #tpu.memory_space<hbm>> -> memref<2048xf32, #tpu.memory_space<hbm>>
    tpu.enqueue_dma source(%dma_start3A_15 : memref<2048xf32, #tpu.memory_space<hbm>>) target(%arg14 : memref<2048xf32, #tpu.memory_space<vmem>>) target_semaphore(%arg21 : memref<!tpu.dma_semaphore, #tpu.memory_space<semaphore_mem>>)
    %dma_start3A_16 = arith.constant 2 : i32
    %dma_start3A_17 = arith.constant 0 : i32
    %dma_start3A_18 = tpu.memref_slice %arg3[%dma_start3A_16, %dma_start3A_17] : memref<8x2048xf32, #tpu.memory_space<hbm>> -> memref<1x2048xf32, #tpu.memory_space<hbm>>
    %dma_start3A_19 = tpu.memref_squeeze %dma_start3A_18 : memref<1x2048xf32, #tpu.memory_space<hbm>> -> memref<2048xf32, #tpu.memory_space<hbm>>
    %dma_start3A_20 = arith.constant 0 : i32
    %dma_start3A_21 = tpu.memref_slice %arg3[%dma_start3A_16, %dma_start3A_20] : memref<8x2048xf32, #tpu.memory_space<hbm>> -> memref<1x2048xf32, #tpu.memory_space<hbm>>
    %dma_start3A_22 = tpu.memref_squeeze %dma_start3A_21 : memref<1x2048xf32, #tpu.memory_space<hbm>> -> memref<2048xf32, #tpu.memory_space<hbm>>
    tpu.enqueue_dma source(%dma_start3A_22 : memref<2048xf32, #tpu.memory_space<hbm>>) target(%arg15 : memref<2048xf32, #tpu.memory_space<vmem>>) target_semaphore(%arg21 : memref<!tpu.dma_semaphore, #tpu.memory_space<semaphore_mem>>)
    %dma_start3A_23 = arith.constant 3 : i32
    %dma_start3A_24 = arith.constant 0 : i32
    %dma_start3A_25 = tpu.memref_slice %arg3[%dma_start3A_23, %dma_start3A_24] : memref<8x2048xf32, #tpu.memory_space<hbm>> -> memref<1x2048xf32, #tpu.memory_space<hbm>>
    %dma_start3A_26 = tpu.memref_squeeze %dma_start3A_25 : memref<1x2048xf32, #tpu.memory_space<hbm>> -> memref<2048xf32, #tpu.memory_space<hbm>>
    %dma_start3A_27 = arith.constant 0 : i32
    %dma_start3A_28 = tpu.memref_slice %arg3[%dma_start3A_23, %dma_start3A_27] : memref<8x2048xf32, #tpu.memory_space<hbm>> -> memref<1x2048xf32, #tpu.memory_space<hbm>>
    %dma_start3A_29 = tpu.memref_squeeze %dma_start3A_28 : memref<1x2048xf32, #tpu.memory_space<hbm>> -> memref<2048xf32, #tpu.memory_space<hbm>>
    tpu.enqueue_dma source(%dma_start3A_29 : memref<2048xf32, #tpu.memory_space<hbm>>) target(%arg16 : memref<2048xf32, #tpu.memory_space<vmem>>) target_semaphore(%arg21 : memref<!tpu.dma_semaphore, #tpu.memory_space<semaphore_mem>>)
    %add3A_30 = arith.constant 0 : i32
    %add3A_31 = arith.addi %mul3A_2, %add3A_30 : i32
    %dma_start3A_32 = arith.constant 0 : i32
    %dma_start3A_33 = tpu.memref_slice %arg2[%add3A_31, %dma_start3A_32] : memref<4096x2048xf32, #tpu.memory_space<hbm>> -> memref<8x2048xf32, #tpu.memory_space<hbm>>
    %dma_start3A_34 = arith.constant 0 : i32
    %dma_start3A_35 = tpu.memref_slice %arg2[%add3A_31, %dma_start3A_34] : memref<4096x2048xf32, #tpu.memory_space<hbm>> -> memref<8x2048xf32, #tpu.memory_space<hbm>>
    tpu.enqueue_dma source(%dma_start3A_35 : memref<8x2048xf32, #tpu.memory_space<hbm>>) target(%arg7 : memref<8x2048xf32, #tpu.memory_space<vmem>>) target_semaphore(%arg17 : memref<!tpu.dma_semaphore, #tpu.memory_space<semaphore_mem>>)
    tpu.wait_dma2 semaphore(%arg21 : memref<!tpu.dma_semaphore, #tpu.memory_space<semaphore_mem>>) src(%arg4 : memref<2048xi32, #tpu.memory_space<hbm>>) dst(%arg11 : memref<2048xi32, #tpu.memory_space<vmem>>)
    tpu.wait_dma2 semaphore(%arg21 : memref<!tpu.dma_semaphore, #tpu.memory_space<semaphore_mem>>) src(%arg5 : memref<2048xi32, #tpu.memory_space<hbm>>) dst(%arg12 : memref<2048xi32, #tpu.memory_space<vmem>>)
    %dma_wait3A = arith.constant 0 : i32
    %dma_wait3A_36 = arith.constant 0 : i32
    %dma_wait3A_37 = tpu.memref_slice %arg3[%dma_wait3A, %dma_wait3A_36] : memref<8x2048xf32, #tpu.memory_space<hbm>> -> memref<1x2048xf32, #tpu.memory_space<hbm>>
    %dma_wait3A_38 = tpu.memref_squeeze %dma_wait3A_37 : memref<1x2048xf32, #tpu.memory_space<hbm>> -> memref<2048xf32, #tpu.memory_space<hbm>>
    %dma_wait3A_39 = arith.constant 0 : i32
    %dma_wait3A_40 = tpu.memref_slice %arg3[%dma_wait3A, %dma_wait3A_39] : memref<8x2048xf32, #tpu.memory_space<hbm>> -> memref<1x2048xf32, #tpu.memory_space<hbm>>
    %dma_wait3A_41 = tpu.memref_squeeze %dma_wait3A_40 : memref<1x2048xf32, #tpu.memory_space<hbm>> -> memref<2048xf32, #tpu.memory_space<hbm>>
    tpu.wait_dma2 semaphore(%arg21 : memref<!tpu.dma_semaphore, #tpu.memory_space<semaphore_mem>>) src(%dma_wait3A_41 : memref<2048xf32, #tpu.memory_space<hbm>>) dst(%arg13 : memref<2048xf32, #tpu.memory_space<vmem>>)
    %dma_wait3A_42 = arith.constant 1 : i32
    %dma_wait3A_43 = arith.constant 0 : i32
    %dma_wait3A_44 = tpu.memref_slice %arg3[%dma_wait3A_42, %dma_wait3A_43] : memref<8x2048xf32, #tpu.memory_space<hbm>> -> memref<1x2048xf32, #tpu.memory_space<hbm>>
    %dma_wait3A_45 = tpu.memref_squeeze %dma_wait3A_44 : memref<1x2048xf32, #tpu.memory_space<hbm>> -> memref<2048xf32, #tpu.memory_space<hbm>>
    %dma_wait3A_46 = arith.constant 0 : i32
    %dma_wait3A_47 = tpu.memref_slice %arg3[%dma_wait3A_42, %dma_wait3A_46] : memref<8x2048xf32, #tpu.memory_space<hbm>> -> memref<1x2048xf32, #tpu.memory_space<hbm>>
    %dma_wait3A_48 = tpu.memref_squeeze %dma_wait3A_47 : memref<1x2048xf32, #tpu.memory_space<hbm>> -> memref<2048xf32, #tpu.memory_space<hbm>>
    tpu.wait_dma2 semaphore(%arg21 : memref<!tpu.dma_semaphore, #tpu.memory_space<semaphore_mem>>) src(%dma_wait3A_48 : memref<2048xf32, #tpu.memory_space<hbm>>) dst(%arg14 : memref<2048xf32, #tpu.memory_space<vmem>>)
    %dma_wait3A_49 = arith.constant 2 : i32
    %dma_wait3A_50 = arith.constant 0 : i32
    %dma_wait3A_51 = tpu.memref_slice %arg3[%dma_wait3A_49, %dma_wait3A_50] : memref<8x2048xf32, #tpu.memory_space<hbm>> -> memref<1x2048xf32, #tpu.memory_space<hbm>>
    %dma_wait3A_52 = tpu.memref_squeeze %dma_wait3A_51 : memref<1x2048xf32, #tpu.memory_space<hbm>> -> memref<2048xf32, #tpu.memory_space<hbm>>
    %dma_wait3A_53 = arith.constant 0 : i32
    %dma_wait3A_54 = tpu.memref_slice %arg3[%dma_wait3A_49, %dma_wait3A_53] : memref<8x2048xf32, #tpu.memory_space<hbm>> -> memref<1x2048xf32, #tpu.memory_space<hbm>>
    %dma_wait3A_55 = tpu.memref_squeeze %dma_wait3A_54 : memref<1x2048xf32, #tpu.memory_space<hbm>> -> memref<2048xf32, #tpu.memory_space<hbm>>
    tpu.wait_dma2 semaphore(%arg21 : memref<!tpu.dma_semaphore, #tpu.memory_space<semaphore_mem>>) src(%dma_wait3A_55 : memref<2048xf32, #tpu.memory_space<hbm>>) dst(%arg15 : memref<2048xf32, #tpu.memory_space<vmem>>)
    %dma_wait3A_56 = arith.constant 3 : i32
    %dma_wait3A_57 = arith.constant 0 : i32
    %dma_wait3A_58 = tpu.memref_slice %arg3[%dma_wait3A_56, %dma_wait3A_57] : memref<8x2048xf32, #tpu.memory_space<hbm>> -> memref<1x2048xf32, #tpu.memory_space<hbm>>
    %dma_wait3A_59 = tpu.memref_squeeze %dma_wait3A_58 : memref<1x2048xf32, #tpu.memory_space<hbm>> -> memref<2048xf32, #tpu.memory_space<hbm>>
    %dma_wait3A_60 = arith.constant 0 : i32
    %dma_wait3A_61 = tpu.memref_slice %arg3[%dma_wait3A_56, %dma_wait3A_60] : memref<8x2048xf32, #tpu.memory_space<hbm>> -> memref<1x2048xf32, #tpu.memory_space<hbm>>
    %dma_wait3A_62 = tpu.memref_squeeze %dma_wait3A_61 : memref<1x2048xf32, #tpu.memory_space<hbm>> -> memref<2048xf32, #tpu.memory_space<hbm>>
    tpu.wait_dma2 semaphore(%arg21 : memref<!tpu.dma_semaphore, #tpu.memory_space<semaphore_mem>>) src(%dma_wait3A_62 : memref<2048xf32, #tpu.memory_space<hbm>>) dst(%arg16 : memref<2048xf32, #tpu.memory_space<vmem>>)
    %scan3A = arith.constant 0 : i32
    %scan3A_63 = arith.constant 0 : i32
    %scan3A_64 = arith.constant 8 : i32
    %scan3A_65 = arith.addi %scan3A_63, %scan3A_64 : i32
    %scan3A_66 = arith.constant 1 : i32
    scf.for %scan3A_80 = %scan3A_63 to %scan3A_65 step %scan3A_66  : i32 {
      %mul3A_81 = arith.constant 2 : i32
      %mul3A_82 = arith.muli %scan3A_80, %mul3A_81 : i32
      %add3A_83 = arith.constant 1 : i32
      %add3A_84 = arith.addi %mul3A_82, %add3A_83 : i32
      %mul3A_85 = arith.constant 8 : i32
      %mul3A_86 = arith.muli %mul3A_82, %mul3A_85 : i32
      %add3A_87 = arith.addi %mul3A_2, %mul3A_86 : i32
      %dma_wait3A_88 = arith.constant 0 : i32
      %dma_wait3A_89 = tpu.memref_slice %arg2[%add3A_87, %dma_wait3A_88] : memref<4096x2048xf32, #tpu.memory_space<hbm>> -> memref<8x2048xf32, #tpu.memory_space<hbm>>
      %dma_wait3A_90 = arith.constant 0 : i32
      %dma_wait3A_91 = tpu.memref_slice %arg2[%add3A_87, %dma_wait3A_90] : memref<4096x2048xf32, #tpu.memory_space<hbm>> -> memref<8x2048xf32, #tpu.memory_space<hbm>>
      tpu.wait_dma2 semaphore(%arg17 : memref<!tpu.dma_semaphore, #tpu.memory_space<semaphore_mem>>) src(%dma_wait3A_91 : memref<8x2048xf32, #tpu.memory_space<hbm>>) dst(%arg7 : memref<8x2048xf32, #tpu.memory_space<vmem>>)
      %mul3A_92 = arith.constant 8 : i32
      %mul3A_93 = arith.muli %add3A_84, %mul3A_92 : i32
      %add3A_94 = arith.addi %mul3A_2, %mul3A_93 : i32
      %dma_start3A_95 = arith.constant 0 : i32
      %dma_start3A_96 = tpu.memref_slice %arg2[%add3A_94, %dma_start3A_95] : memref<4096x2048xf32, #tpu.memory_space<hbm>> -> memref<8x2048xf32, #tpu.memory_space<hbm>>
      %dma_start3A_97 = arith.constant 0 : i32
      %dma_start3A_98 = tpu.memref_slice %arg2[%add3A_94, %dma_start3A_97] : memref<4096x2048xf32, #tpu.memory_space<hbm>> -> memref<8x2048xf32, #tpu.memory_space<hbm>>
      tpu.enqueue_dma source(%dma_start3A_98 : memref<8x2048xf32, #tpu.memory_space<hbm>>) target(%arg8 : memref<8x2048xf32, #tpu.memory_space<vmem>>) target_semaphore(%arg18 : memref<!tpu.dma_semaphore, #tpu.memory_space<semaphore_mem>>)
      %ge3A = arith.constant 1 : i32
      %ge3A_99 = arith.cmpi sge, %scan3A_80, %ge3A : i32
      %convert_element_type3A = arith.extui %ge3A_99 : i1 to i32
      %cond3A = arith.constant 0 : i32
      %cond3A_100 = arith.cmpi ne, %convert_element_type3A, %cond3A : i32
      scf.if %cond3A_100 {
        %sub3A = arith.constant 2 : i32
        %sub3A_136 = arith.subi %mul3A_82, %sub3A : i32
        %mul3A_137 = arith.constant 8 : i32
        %mul3A_138 = arith.muli %sub3A_136, %mul3A_137 : i32
        %add3A_139 = arith.addi %mul3A_2, %mul3A_138 : i32
        %dma_wait3A_140 = arith.constant 0 : i32
        %dma_wait3A_141 = tpu.memref_slice %arg6[%add3A_139, %dma_wait3A_140] : memref<4096x2048xf32, #tpu.memory_space<hbm>> -> memref<8x2048xf32, #tpu.memory_space<hbm>>
        %dma_wait3A_142 = arith.constant 0 : i32
        %dma_wait3A_143 = tpu.memref_slice %arg6[%add3A_139, %dma_wait3A_142] : memref<4096x2048xf32, #tpu.memory_space<hbm>> -> memref<8x2048xf32, #tpu.memory_space<hbm>>
        tpu.wait_dma2 semaphore(%arg19 : memref<!tpu.dma_semaphore, #tpu.memory_space<semaphore_mem>>) src(%arg9 : memref<8x2048xf32, #tpu.memory_space<vmem>>) dst(%dma_wait3A_143 : memref<8x2048xf32, #tpu.memory_space<hbm>>)
      } else {
      }
      %parallel_loop3A = arith.constant 0 : i32
      %parallel_loop3A_101 = arith.constant 128 : i32
      %parallel_loop3A_102 = arith.constant 1 : i32
      scf.for %parallel_loop3A_136 = %parallel_loop3A to %parallel_loop3A_101 step %parallel_loop3A_102  : i32 {
        %parallel_loop3A_137 = arith.constant 16 : i32
        %parallel_loop3A_138 = arith.muli %parallel_loop3A_136, %parallel_loop3A_137 : i32
        %parallel_loop3A_139 = arith.index_cast %parallel_loop3A_138 : i32 to index
        %parallel_loop3A_140 = tpu.vector_load %arg11[%parallel_loop3A_139] {strides = array<i32>} : memref<2048xi32, #tpu.memory_space<vmem>>, vector<16xi32>,
        %parallel_loop3A_141 = arith.index_cast %parallel_loop3A_138 : i32 to index
        %parallel_loop3A_142 = tpu.vector_load %arg12[%parallel_loop3A_141] {strides = array<i32>} : memref<2048xi32, #tpu.memory_space<vmem>>, vector<16xi32>,
        %parallel_loop3A_143 = arith.index_cast %parallel_loop3A_138 : i32 to index
        %parallel_loop3A_144 = tpu.vector_load %arg13[%parallel_loop3A_143] {strides = array<i32>} : memref<2048xf32, #tpu.memory_space<vmem>>, vector<16xf32>,
        %parallel_loop3A_145 = arith.index_cast %parallel_loop3A_138 : i32 to index
        %parallel_loop3A_146 = tpu.vector_load %arg14[%parallel_loop3A_145] {strides = array<i32>} : memref<2048xf32, #tpu.memory_space<vmem>>, vector<16xf32>,
        %parallel_loop3A_147 = arith.index_cast %parallel_loop3A_138 : i32 to index
        %parallel_loop3A_148 = tpu.vector_load %arg15[%parallel_loop3A_147] {strides = array<i32>} : memref<2048xf32, #tpu.memory_space<vmem>>, vector<16xf32>,
        %parallel_loop3A_149 = arith.index_cast %parallel_loop3A_138 : i32 to index
        %parallel_loop3A_150 = tpu.vector_load %arg16[%parallel_loop3A_149] {strides = array<i32>} : memref<2048xf32, #tpu.memory_space<vmem>>, vector<16xf32>,
        %parallel_loop3A_151 = arith.constant 0 : i32
        %parallel_loop3A_152 = vector.broadcast %parallel_loop3A_151 : i32 to vector<16xi32>
        %parallel_loop3A_153 = tpu.vector_load_idx %arg7[%parallel_loop3A_152, %parallel_loop3A_140] : memref<8x2048xf32, #tpu.memory_space<vmem>>[vector<16xi32>, vector<16xi32>], vector<16xf32>,
        %parallel_loop3A_154 = tpu.vector_load_idx %arg7[%parallel_loop3A_152, %parallel_loop3A_142] : memref<8x2048xf32, #tpu.memory_space<vmem>>[vector<16xi32>, vector<16xi32>], vector<16xf32>,
        %parallel_loop3A_155 = arith.mulf %parallel_loop3A_148, %parallel_loop3A_154 : vector<16xf32>
        %parallel_loop3A_156 = arith.addf %parallel_loop3A_144, %parallel_loop3A_155 : vector<16xf32>
        %parallel_loop3A_157 = arith.mulf %parallel_loop3A_150, %parallel_loop3A_154 : vector<16xf32>
        %parallel_loop3A_158 = arith.addf %parallel_loop3A_146, %parallel_loop3A_157 : vector<16xf32>
        %parallel_loop3A_159 = arith.mulf %parallel_loop3A_153, %parallel_loop3A_158 : vector<16xf32>
        %parallel_loop3A_160 = arith.addf %parallel_loop3A_156, %parallel_loop3A_159 : vector<16xf32>
        %parallel_loop3A_161 = arith.constant 0 : i32
        %parallel_loop3A_162 = arith.index_cast %parallel_loop3A_161 : i32 to index
        %parallel_loop3A_163 = arith.index_cast %parallel_loop3A_138 : i32 to index
        %parallel_loop3A_164 = tpu.vector_load %arg9[%parallel_loop3A_162, %parallel_loop3A_163] {strides = array<i32>} : memref<8x2048xf32, #tpu.memory_space<vmem>>, vector<16xf32>,
        tpu.vector_store %arg9[%parallel_loop3A_162, %parallel_loop3A_163], %parallel_loop3A_160 {strides = array<i32>} : memref<8x2048xf32, #tpu.memory_space<vmem>>, vector<16xf32>,
        %parallel_loop3A_165 = arith.constant 1 : i32
        %parallel_loop3A_166 = vector.broadcast %parallel_loop3A_165 : i32 to vector<16xi32>
        %parallel_loop3A_167 = tpu.vector_load_idx %arg7[%parallel_loop3A_166, %parallel_loop3A_140] : memref<8x2048xf32, #tpu.memory_space<vmem>>[vector<16xi32>, vector<16xi32>], vector<16xf32>,
        %parallel_loop3A_168 = tpu.vector_load_idx %arg7[%parallel_loop3A_166, %parallel_loop3A_142] : memref<8x2048xf32, #tpu.memory_space<vmem>>[vector<16xi32>, vector<16xi32>], vector<16xf32>,
        %parallel_loop3A_169 = arith.mulf %parallel_loop3A_148, %parallel_loop3A_168 : vector<16xf32>
        %parallel_loop3A_170 = arith.addf %parallel_loop3A_144, %parallel_loop3A_169 : vector<16xf32>
        %parallel_loop3A_171 = arith.mulf %parallel_loop3A_150, %parallel_loop3A_168 : vector<16xf32>
        %parallel_loop3A_172 = arith.addf %parallel_loop3A_146, %parallel_loop3A_171 : vector<16xf32>
        %parallel_loop3A_173 = arith.mulf %parallel_loop3A_167, %parallel_loop3A_172 : vector<16xf32>
        %parallel_loop3A_174 = arith.addf %parallel_loop3A_170, %parallel_loop3A_173 : vector<16xf32>
        %parallel_loop3A_175 = arith.constant 1 : i32
        %parallel_loop3A_176 = arith.index_cast %parallel_loop3A_175 : i32 to index
        %parallel_loop3A_177 = arith.index_cast %parallel_loop3A_138 : i32 to index
        %parallel_loop3A_178 = tpu.vector_load %arg9[%parallel_loop3A_176, %parallel_loop3A_177] {strides = array<i32>} : memref<8x2048xf32, #tpu.memory_space<vmem>>, vector<16xf32>,
        tpu.vector_store %arg9[%parallel_loop3A_176, %parallel_loop3A_177], %parallel_loop3A_174 {strides = array<i32>} : memref<8x2048xf32, #tpu.memory_space<vmem>>, vector<16xf32>,
        %parallel_loop3A_179 = arith.constant 2 : i32
        %parallel_loop3A_180 = vector.broadcast %parallel_loop3A_179 : i32 to vector<16xi32>
        %parallel_loop3A_181 = tpu.vector_load_idx %arg7[%parallel_loop3A_180, %parallel_loop3A_140] : memref<8x2048xf32, #tpu.memory_space<vmem>>[vector<16xi32>, vector<16xi32>], vector<16xf32>,
        %parallel_loop3A_182 = tpu.vector_load_idx %arg7[%parallel_loop3A_180, %parallel_loop3A_142] : memref<8x2048xf32, #tpu.memory_space<vmem>>[vector<16xi32>, vector<16xi32>], vector<16xf32>,
        %parallel_loop3A_183 = arith.mulf %parallel_loop3A_148, %parallel_loop3A_182 : vector<16xf32>
        %parallel_loop3A_184 = arith.addf %parallel_loop3A_144, %parallel_loop3A_183 : vector<16xf32>
        %parallel_loop3A_185 = arith.mulf %parallel_loop3A_150, %parallel_loop3A_182 : vector<16xf32>
        %parallel_loop3A_186 = arith.addf %parallel_loop3A_146, %parallel_loop3A_185 : vector<16xf32>
        %parallel_loop3A_187 = arith.mulf %parallel_loop3A_181, %parallel_loop3A_186 : vector<16xf32>
        %parallel_loop3A_188 = arith.addf %parallel_loop3A_184, %parallel_loop3A_187 : vector<16xf32>
        %parallel_loop3A_189 = arith.constant 2 : i32
        %parallel_loop3A_190 = arith.index_cast %parallel_loop3A_189 : i32 to index
        %parallel_loop3A_191 = arith.index_cast %parallel_loop3A_138 : i32 to index
        %parallel_loop3A_192 = tpu.vector_load %arg9[%parallel_loop3A_190, %parallel_loop3A_191] {strides = array<i32>} : memref<8x2048xf32, #tpu.memory_space<vmem>>, vector<16xf32>,
        tpu.vector_store %arg9[%parallel_loop3A_190, %parallel_loop3A_191], %parallel_loop3A_188 {strides = array<i32>} : memref<8x2048xf32, #tpu.memory_space<vmem>>, vector<16xf32>,
        %parallel_loop3A_193 = arith.constant 3 : i32
        %parallel_loop3A_194 = vector.broadcast %parallel_loop3A_193 : i32 to vector<16xi32>
        %parallel_loop3A_195 = tpu.vector_load_idx %arg7[%parallel_loop3A_194, %parallel_loop3A_140] : memref<8x2048xf32, #tpu.memory_space<vmem>>[vector<16xi32>, vector<16xi32>], vector<16xf32>,
        %parallel_loop3A_196 = tpu.vector_load_idx %arg7[%parallel_loop3A_194, %parallel_loop3A_142] : memref<8x2048xf32, #tpu.memory_space<vmem>>[vector<16xi32>, vector<16xi32>], vector<16xf32>,
        %parallel_loop3A_197 = arith.mulf %parallel_loop3A_148, %parallel_loop3A_196 : vector<16xf32>
        %parallel_loop3A_198 = arith.addf %parallel_loop3A_144, %parallel_loop3A_197 : vector<16xf32>
        %parallel_loop3A_199 = arith.mulf %parallel_loop3A_150, %parallel_loop3A_196 : vector<16xf32>
        %parallel_loop3A_200 = arith.addf %parallel_loop3A_146, %parallel_loop3A_199 : vector<16xf32>
        %parallel_loop3A_201 = arith.mulf %parallel_loop3A_195, %parallel_loop3A_200 : vector<16xf32>
        %parallel_loop3A_202 = arith.addf %parallel_loop3A_198, %parallel_loop3A_201 : vector<16xf32>
        %parallel_loop3A_203 = arith.constant 3 : i32
        %parallel_loop3A_204 = arith.index_cast %parallel_loop3A_203 : i32 to index
        %parallel_loop3A_205 = arith.index_cast %parallel_loop3A_138 : i32 to index
        %parallel_loop3A_206 = tpu.vector_load %arg9[%parallel_loop3A_204, %parallel_loop3A_205] {strides = array<i32>} : memref<8x2048xf32, #tpu.memory_space<vmem>>, vector<16xf32>,
        tpu.vector_store %arg9[%parallel_loop3A_204, %parallel_loop3A_205], %parallel_loop3A_202 {strides = array<i32>} : memref<8x2048xf32, #tpu.memory_space<vmem>>, vector<16xf32>,
        %parallel_loop3A_207 = arith.constant 4 : i32
        %parallel_loop3A_208 = vector.broadcast %parallel_loop3A_207 : i32 to vector<16xi32>
        %parallel_loop3A_209 = tpu.vector_load_idx %arg7[%parallel_loop3A_208, %parallel_loop3A_140] : memref<8x2048xf32, #tpu.memory_space<vmem>>[vector<16xi32>, vector<16xi32>], vector<16xf32>,
        %parallel_loop3A_210 = tpu.vector_load_idx %arg7[%parallel_loop3A_208, %parallel_loop3A_142] : memref<8x2048xf32, #tpu.memory_space<vmem>>[vector<16xi32>, vector<16xi32>], vector<16xf32>,
        %parallel_loop3A_211 = arith.mulf %parallel_loop3A_148, %parallel_loop3A_210 : vector<16xf32>
        %parallel_loop3A_212 = arith.addf %parallel_loop3A_144, %parallel_loop3A_211 : vector<16xf32>
        %parallel_loop3A_213 = arith.mulf %parallel_loop3A_150, %parallel_loop3A_210 : vector<16xf32>
        %parallel_loop3A_214 = arith.addf %parallel_loop3A_146, %parallel_loop3A_213 : vector<16xf32>
        %parallel_loop3A_215 = arith.mulf %parallel_loop3A_209, %parallel_loop3A_214 : vector<16xf32>
        %parallel_loop3A_216 = arith.addf %parallel_loop3A_212, %parallel_loop3A_215 : vector<16xf32>
        %parallel_loop3A_217 = arith.constant 4 : i32
        %parallel_loop3A_218 = arith.index_cast %parallel_loop3A_217 : i32 to index
        %parallel_loop3A_219 = arith.index_cast %parallel_loop3A_138 : i32 to index
        %parallel_loop3A_220 = tpu.vector_load %arg9[%parallel_loop3A_218, %parallel_loop3A_219] {strides = array<i32>} : memref<8x2048xf32, #tpu.memory_space<vmem>>, vector<16xf32>,
        tpu.vector_store %arg9[%parallel_loop3A_218, %parallel_loop3A_219], %parallel_loop3A_216 {strides = array<i32>} : memref<8x2048xf32, #tpu.memory_space<vmem>>, vector<16xf32>,
        %parallel_loop3A_221 = arith.constant 5 : i32
        %parallel_loop3A_222 = vector.broadcast %parallel_loop3A_221 : i32 to vector<16xi32>
        %parallel_loop3A_223 = tpu.vector_load_idx %arg7[%parallel_loop3A_222, %parallel_loop3A_140] : memref<8x2048xf32, #tpu.memory_space<vmem>>[vector<16xi32>, vector<16xi32>], vector<16xf32>,
        %parallel_loop3A_224 = tpu.vector_load_idx %arg7[%parallel_loop3A_222, %parallel_loop3A_142] : memref<8x2048xf32, #tpu.memory_space<vmem>>[vector<16xi32>, vector<16xi32>], vector<16xf32>,
        %parallel_loop3A_225 = arith.mulf %parallel_loop3A_148, %parallel_loop3A_224 : vector<16xf32>
        %parallel_loop3A_226 = arith.addf %parallel_loop3A_144, %parallel_loop3A_225 : vector<16xf32>
        %parallel_loop3A_227 = arith.mulf %parallel_loop3A_150, %parallel_loop3A_224 : vector<16xf32>
        %parallel_loop3A_228 = arith.addf %parallel_loop3A_146, %parallel_loop3A_227 : vector<16xf32>
        %parallel_loop3A_229 = arith.mulf %parallel_loop3A_223, %parallel_loop3A_228 : vector<16xf32>
        %parallel_loop3A_230 = arith.addf %parallel_loop3A_226, %parallel_loop3A_229 : vector<16xf32>
        %parallel_loop3A_231 = arith.constant 5 : i32
        %parallel_loop3A_232 = arith.index_cast %parallel_loop3A_231 : i32 to index
        %parallel_loop3A_233 = arith.index_cast %parallel_loop3A_138 : i32 to index
        %parallel_loop3A_234 = tpu.vector_load %arg9[%parallel_loop3A_232, %parallel_loop3A_233] {strides = array<i32>} : memref<8x2048xf32, #tpu.memory_space<vmem>>, vector<16xf32>,
        tpu.vector_store %arg9[%parallel_loop3A_232, %parallel_loop3A_233], %parallel_loop3A_230 {strides = array<i32>} : memref<8x2048xf32, #tpu.memory_space<vmem>>, vector<16xf32>,
        %parallel_loop3A_235 = arith.constant 6 : i32
        %parallel_loop3A_236 = vector.broadcast %parallel_loop3A_235 : i32 to vector<16xi32>
        %parallel_loop3A_237 = tpu.vector_load_idx %arg7[%parallel_loop3A_236, %parallel_loop3A_140] : memref<8x2048xf32, #tpu.memory_space<vmem>>[vector<16xi32>, vector<16xi32>], vector<16xf32>,
        %parallel_loop3A_238 = tpu.vector_load_idx %arg7[%parallel_loop3A_236, %parallel_loop3A_142] : memref<8x2048xf32, #tpu.memory_space<vmem>>[vector<16xi32>, vector<16xi32>], vector<16xf32>,
        %parallel_loop3A_239 = arith.mulf %parallel_loop3A_148, %parallel_loop3A_238 : vector<16xf32>
        %parallel_loop3A_240 = arith.addf %parallel_loop3A_144, %parallel_loop3A_239 : vector<16xf32>
        %parallel_loop3A_241 = arith.mulf %parallel_loop3A_150, %parallel_loop3A_238 : vector<16xf32>
        %parallel_loop3A_242 = arith.addf %parallel_loop3A_146, %parallel_loop3A_241 : vector<16xf32>
        %parallel_loop3A_243 = arith.mulf %parallel_loop3A_237, %parallel_loop3A_242 : vector<16xf32>
        %parallel_loop3A_244 = arith.addf %parallel_loop3A_240, %parallel_loop3A_243 : vector<16xf32>
        %parallel_loop3A_245 = arith.constant 6 : i32
        %parallel_loop3A_246 = arith.index_cast %parallel_loop3A_245 : i32 to index
        %parallel_loop3A_247 = arith.index_cast %parallel_loop3A_138 : i32 to index
        %parallel_loop3A_248 = tpu.vector_load %arg9[%parallel_loop3A_246, %parallel_loop3A_247] {strides = array<i32>} : memref<8x2048xf32, #tpu.memory_space<vmem>>, vector<16xf32>,
        tpu.vector_store %arg9[%parallel_loop3A_246, %parallel_loop3A_247], %parallel_loop3A_244 {strides = array<i32>} : memref<8x2048xf32, #tpu.memory_space<vmem>>, vector<16xf32>,
        %parallel_loop3A_249 = arith.constant 7 : i32
        %parallel_loop3A_250 = vector.broadcast %parallel_loop3A_249 : i32 to vector<16xi32>
        %parallel_loop3A_251 = tpu.vector_load_idx %arg7[%parallel_loop3A_250, %parallel_loop3A_140] : memref<8x2048xf32, #tpu.memory_space<vmem>>[vector<16xi32>, vector<16xi32>], vector<16xf32>,
        %parallel_loop3A_252 = tpu.vector_load_idx %arg7[%parallel_loop3A_250, %parallel_loop3A_142] : memref<8x2048xf32, #tpu.memory_space<vmem>>[vector<16xi32>, vector<16xi32>], vector<16xf32>,
        %parallel_loop3A_253 = arith.mulf %parallel_loop3A_148, %parallel_loop3A_252 : vector<16xf32>
        %parallel_loop3A_254 = arith.addf %parallel_loop3A_144, %parallel_loop3A_253 : vector<16xf32>
        %parallel_loop3A_255 = arith.mulf %parallel_loop3A_150, %parallel_loop3A_252 : vector<16xf32>
        %parallel_loop3A_256 = arith.addf %parallel_loop3A_146, %parallel_loop3A_255 : vector<16xf32>
        %parallel_loop3A_257 = arith.mulf %parallel_loop3A_251, %parallel_loop3A_256 : vector<16xf32>
        %parallel_loop3A_258 = arith.addf %parallel_loop3A_254, %parallel_loop3A_257 : vector<16xf32>
        %parallel_loop3A_259 = arith.constant 7 : i32
        %parallel_loop3A_260 = arith.index_cast %parallel_loop3A_259 : i32 to index
        %parallel_loop3A_261 = arith.index_cast %parallel_loop3A_138 : i32 to index
        %parallel_loop3A_262 = tpu.vector_load %arg9[%parallel_loop3A_260, %parallel_loop3A_261] {strides = array<i32>} : memref<8x2048xf32, #tpu.memory_space<vmem>>, vector<16xf32>,
        tpu.vector_store %arg9[%parallel_loop3A_260, %parallel_loop3A_261], %parallel_loop3A_258 {strides = array<i32>} : memref<8x2048xf32, #tpu.memory_space<vmem>>, vector<16xf32>,
      } {sc.loop_unroll_factor = 2 : i64, sc.parallel_access}
      %mul3A_103 = arith.constant 8 : i32
      %mul3A_104 = arith.muli %mul3A_82, %mul3A_103 : i32
      %add3A_105 = arith.addi %mul3A_2, %mul3A_104 : i32
      %dma_start3A_106 = arith.constant 0 : i32
      %dma_start3A_107 = tpu.memref_slice %arg6[%add3A_105, %dma_start3A_106] : memref<4096x2048xf32, #tpu.memory_space<hbm>> -> memref<8x2048xf32, #tpu.memory_space<hbm>>
      %dma_start3A_108 = arith.constant 0 : i32
      %dma_start3A_109 = tpu.memref_slice %arg6[%add3A_105, %dma_start3A_108] : memref<4096x2048xf32, #tpu.memory_space<hbm>> -> memref<8x2048xf32, #tpu.memory_space<hbm>>
      tpu.enqueue_dma source(%arg9 : memref<8x2048xf32, #tpu.memory_space<vmem>>) target(%dma_start3A_109 : memref<8x2048xf32, #tpu.memory_space<hbm>>) target_semaphore(%arg19 : memref<!tpu.dma_semaphore, #tpu.memory_space<semaphore_mem>>)
      %mul3A_110 = arith.constant 8 : i32
      %mul3A_111 = arith.muli %add3A_84, %mul3A_110 : i32
      %add3A_112 = arith.addi %mul3A_2, %mul3A_111 : i32
      %dma_wait3A_113 = arith.constant 0 : i32
      %dma_wait3A_114 = tpu.memref_slice %arg2[%add3A_112, %dma_wait3A_113] : memref<4096x2048xf32, #tpu.memory_space<hbm>> -> memref<8x2048xf32, #tpu.memory_space<hbm>>
      %dma_wait3A_115 = arith.constant 0 : i32
      %dma_wait3A_116 = tpu.memref_slice %arg2[%add3A_112, %dma_wait3A_115] : memref<4096x2048xf32, #tpu.memory_space<hbm>> -> memref<8x2048xf32, #tpu.memory_space<hbm>>
      tpu.wait_dma2 semaphore(%arg18 : memref<!tpu.dma_semaphore, #tpu.memory_space<semaphore_mem>>) src(%dma_wait3A_116 : memref<8x2048xf32, #tpu.memory_space<hbm>>) dst(%arg8 : memref<8x2048xf32, #tpu.memory_space<vmem>>)
      %le3A = arith.constant 6 : i32
      %le3A_117 = arith.cmpi sle, %scan3A_80, %le3A : i32
      %convert_element_type3A_118 = arith.extui %le3A_117 : i1 to i32
      %cond3A_119 = arith.constant 0 : i32
      %cond3A_120 = arith.cmpi ne, %convert_element_type3A_118, %cond3A_119 : i32
      scf.if %cond3A_120 {
        %add3A_136 = arith.constant 2 : i32
        %add3A_137 = arith.addi %mul3A_82, %add3A_136 : i32
        %mul3A_138 = arith.constant 8 : i32
        %mul3A_139 = arith.muli %add3A_137, %mul3A_138 : i32
        %add3A_140 = arith.addi %mul3A_2, %mul3A_139 : i32
        %dma_start3A_141 = arith.constant 0 : i32
        %dma_start3A_142 = tpu.memref_slice %arg2[%add3A_140, %dma_start3A_141] : memref<4096x2048xf32, #tpu.memory_space<hbm>> -> memref<8x2048xf32, #tpu.memory_space<hbm>>
        %dma_start3A_143 = arith.constant 0 : i32
        %dma_start3A_144 = tpu.memref_slice %arg2[%add3A_140, %dma_start3A_143] : memref<4096x2048xf32, #tpu.memory_space<hbm>> -> memref<8x2048xf32, #tpu.memory_space<hbm>>
        tpu.enqueue_dma source(%dma_start3A_144 : memref<8x2048xf32, #tpu.memory_space<hbm>>) target(%arg7 : memref<8x2048xf32, #tpu.memory_space<vmem>>) target_semaphore(%arg17 : memref<!tpu.dma_semaphore, #tpu.memory_space<semaphore_mem>>)
      } else {
      }
      %ge3A_121 = arith.constant 1 : i32
      %ge3A_122 = arith.cmpi sge, %scan3A_80, %ge3A_121 : i32
      %convert_element_type3A_123 = arith.extui %ge3A_122 : i1 to i32
      %cond3A_124 = arith.constant 0 : i32
      %cond3A_125 = arith.cmpi ne, %convert_element_type3A_123, %cond3A_124 : i32
      scf.if %cond3A_125 {
        %sub3A = arith.constant 2 : i32
        %sub3A_136 = arith.subi %add3A_84, %sub3A : i32
        %mul3A_137 = arith.constant 8 : i32
        %mul3A_138 = arith.muli %sub3A_136, %mul3A_137 : i32
        %add3A_139 = arith.addi %mul3A_2, %mul3A_138 : i32
        %dma_wait3A_140 = arith.constant 0 : i32
        %dma_wait3A_141 = tpu.memref_slice %arg6[%add3A_139, %dma_wait3A_140] : memref<4096x2048xf32, #tpu.memory_space<hbm>> -> memref<8x2048xf32, #tpu.memory_space<hbm>>
        %dma_wait3A_142 = arith.constant 0 : i32
        %dma_wait3A_143 = tpu.memref_slice %arg6[%add3A_139, %dma_wait3A_142] : memref<4096x2048xf32, #tpu.memory_space<hbm>> -> memref<8x2048xf32, #tpu.memory_space<hbm>>
        tpu.wait_dma2 semaphore(%arg20 : memref<!tpu.dma_semaphore, #tpu.memory_space<semaphore_mem>>) src(%arg10 : memref<8x2048xf32, #tpu.memory_space<vmem>>) dst(%dma_wait3A_143 : memref<8x2048xf32, #tpu.memory_space<hbm>>)
      } else {
      }
      %parallel_loop3A_126 = arith.constant 0 : i32
      %parallel_loop3A_127 = arith.constant 128 : i32
      %parallel_loop3A_128 = arith.constant 1 : i32
      scf.for %parallel_loop3A_136 = %parallel_loop3A_126 to %parallel_loop3A_127 step %parallel_loop3A_128  : i32 {
        %parallel_loop3A_137 = arith.constant 16 : i32
        %parallel_loop3A_138 = arith.muli %parallel_loop3A_136, %parallel_loop3A_137 : i32
        %parallel_loop3A_139 = arith.index_cast %parallel_loop3A_138 : i32 to index
        %parallel_loop3A_140 = tpu.vector_load %arg11[%parallel_loop3A_139] {strides = array<i32>} : memref<2048xi32, #tpu.memory_space<vmem>>, vector<16xi32>,
        %parallel_loop3A_141 = arith.index_cast %parallel_loop3A_138 : i32 to index
        %parallel_loop3A_142 = tpu.vector_load %arg12[%parallel_loop3A_141] {strides = array<i32>} : memref<2048xi32, #tpu.memory_space<vmem>>, vector<16xi32>,
        %parallel_loop3A_143 = arith.index_cast %parallel_loop3A_138 : i32 to index
        %parallel_loop3A_144 = tpu.vector_load %arg13[%parallel_loop3A_143] {strides = array<i32>} : memref<2048xf32, #tpu.memory_space<vmem>>, vector<16xf32>,
        %parallel_loop3A_145 = arith.index_cast %parallel_loop3A_138 : i32 to index
        %parallel_loop3A_146 = tpu.vector_load %arg14[%parallel_loop3A_145] {strides = array<i32>} : memref<2048xf32, #tpu.memory_space<vmem>>, vector<16xf32>,
        %parallel_loop3A_147 = arith.index_cast %parallel_loop3A_138 : i32 to index
        %parallel_loop3A_148 = tpu.vector_load %arg15[%parallel_loop3A_147] {strides = array<i32>} : memref<2048xf32, #tpu.memory_space<vmem>>, vector<16xf32>,
        %parallel_loop3A_149 = arith.index_cast %parallel_loop3A_138 : i32 to index
        %parallel_loop3A_150 = tpu.vector_load %arg16[%parallel_loop3A_149] {strides = array<i32>} : memref<2048xf32, #tpu.memory_space<vmem>>, vector<16xf32>,
        %parallel_loop3A_151 = arith.constant 0 : i32
        %parallel_loop3A_152 = vector.broadcast %parallel_loop3A_151 : i32 to vector<16xi32>
        %parallel_loop3A_153 = tpu.vector_load_idx %arg8[%parallel_loop3A_152, %parallel_loop3A_140] : memref<8x2048xf32, #tpu.memory_space<vmem>>[vector<16xi32>, vector<16xi32>], vector<16xf32>,
        %parallel_loop3A_154 = tpu.vector_load_idx %arg8[%parallel_loop3A_152, %parallel_loop3A_142] : memref<8x2048xf32, #tpu.memory_space<vmem>>[vector<16xi32>, vector<16xi32>], vector<16xf32>,
        %parallel_loop3A_155 = arith.mulf %parallel_loop3A_148, %parallel_loop3A_154 : vector<16xf32>
        %parallel_loop3A_156 = arith.addf %parallel_loop3A_144, %parallel_loop3A_155 : vector<16xf32>
        %parallel_loop3A_157 = arith.mulf %parallel_loop3A_150, %parallel_loop3A_154 : vector<16xf32>
        %parallel_loop3A_158 = arith.addf %parallel_loop3A_146, %parallel_loop3A_157 : vector<16xf32>
        %parallel_loop3A_159 = arith.mulf %parallel_loop3A_153, %parallel_loop3A_158 : vector<16xf32>
        %parallel_loop3A_160 = arith.addf %parallel_loop3A_156, %parallel_loop3A_159 : vector<16xf32>
        %parallel_loop3A_161 = arith.constant 0 : i32
        %parallel_loop3A_162 = arith.index_cast %parallel_loop3A_161 : i32 to index
        %parallel_loop3A_163 = arith.index_cast %parallel_loop3A_138 : i32 to index
        %parallel_loop3A_164 = tpu.vector_load %arg10[%parallel_loop3A_162, %parallel_loop3A_163] {strides = array<i32>} : memref<8x2048xf32, #tpu.memory_space<vmem>>, vector<16xf32>,
        tpu.vector_store %arg10[%parallel_loop3A_162, %parallel_loop3A_163], %parallel_loop3A_160 {strides = array<i32>} : memref<8x2048xf32, #tpu.memory_space<vmem>>, vector<16xf32>,
        %parallel_loop3A_165 = arith.constant 1 : i32
        %parallel_loop3A_166 = vector.broadcast %parallel_loop3A_165 : i32 to vector<16xi32>
        %parallel_loop3A_167 = tpu.vector_load_idx %arg8[%parallel_loop3A_166, %parallel_loop3A_140] : memref<8x2048xf32, #tpu.memory_space<vmem>>[vector<16xi32>, vector<16xi32>], vector<16xf32>,
        %parallel_loop3A_168 = tpu.vector_load_idx %arg8[%parallel_loop3A_166, %parallel_loop3A_142] : memref<8x2048xf32, #tpu.memory_space<vmem>>[vector<16xi32>, vector<16xi32>], vector<16xf32>,
        %parallel_loop3A_169 = arith.mulf %parallel_loop3A_148, %parallel_loop3A_168 : vector<16xf32>
        %parallel_loop3A_170 = arith.addf %parallel_loop3A_144, %parallel_loop3A_169 : vector<16xf32>
        %parallel_loop3A_171 = arith.mulf %parallel_loop3A_150, %parallel_loop3A_168 : vector<16xf32>
        %parallel_loop3A_172 = arith.addf %parallel_loop3A_146, %parallel_loop3A_171 : vector<16xf32>
        %parallel_loop3A_173 = arith.mulf %parallel_loop3A_167, %parallel_loop3A_172 : vector<16xf32>
        %parallel_loop3A_174 = arith.addf %parallel_loop3A_170, %parallel_loop3A_173 : vector<16xf32>
        %parallel_loop3A_175 = arith.constant 1 : i32
        %parallel_loop3A_176 = arith.index_cast %parallel_loop3A_175 : i32 to index
        %parallel_loop3A_177 = arith.index_cast %parallel_loop3A_138 : i32 to index
        %parallel_loop3A_178 = tpu.vector_load %arg10[%parallel_loop3A_176, %parallel_loop3A_177] {strides = array<i32>} : memref<8x2048xf32, #tpu.memory_space<vmem>>, vector<16xf32>,
        tpu.vector_store %arg10[%parallel_loop3A_176, %parallel_loop3A_177], %parallel_loop3A_174 {strides = array<i32>} : memref<8x2048xf32, #tpu.memory_space<vmem>>, vector<16xf32>,
        %parallel_loop3A_179 = arith.constant 2 : i32
        %parallel_loop3A_180 = vector.broadcast %parallel_loop3A_179 : i32 to vector<16xi32>
        %parallel_loop3A_181 = tpu.vector_load_idx %arg8[%parallel_loop3A_180, %parallel_loop3A_140] : memref<8x2048xf32, #tpu.memory_space<vmem>>[vector<16xi32>, vector<16xi32>], vector<16xf32>,
        %parallel_loop3A_182 = tpu.vector_load_idx %arg8[%parallel_loop3A_180, %parallel_loop3A_142] : memref<8x2048xf32, #tpu.memory_space<vmem>>[vector<16xi32>, vector<16xi32>], vector<16xf32>,
        %parallel_loop3A_183 = arith.mulf %parallel_loop3A_148, %parallel_loop3A_182 : vector<16xf32>
        %parallel_loop3A_184 = arith.addf %parallel_loop3A_144, %parallel_loop3A_183 : vector<16xf32>
        %parallel_loop3A_185 = arith.mulf %parallel_loop3A_150, %parallel_loop3A_182 : vector<16xf32>
        %parallel_loop3A_186 = arith.addf %parallel_loop3A_146, %parallel_loop3A_185 : vector<16xf32>
        %parallel_loop3A_187 = arith.mulf %parallel_loop3A_181, %parallel_loop3A_186 : vector<16xf32>
        %parallel_loop3A_188 = arith.addf %parallel_loop3A_184, %parallel_loop3A_187 : vector<16xf32>
        %parallel_loop3A_189 = arith.constant 2 : i32
        %parallel_loop3A_190 = arith.index_cast %parallel_loop3A_189 : i32 to index
        %parallel_loop3A_191 = arith.index_cast %parallel_loop3A_138 : i32 to index
        %parallel_loop3A_192 = tpu.vector_load %arg10[%parallel_loop3A_190, %parallel_loop3A_191] {strides = array<i32>} : memref<8x2048xf32, #tpu.memory_space<vmem>>, vector<16xf32>,
        tpu.vector_store %arg10[%parallel_loop3A_190, %parallel_loop3A_191], %parallel_loop3A_188 {strides = array<i32>} : memref<8x2048xf32, #tpu.memory_space<vmem>>, vector<16xf32>,
        %parallel_loop3A_193 = arith.constant 3 : i32
        %parallel_loop3A_194 = vector.broadcast %parallel_loop3A_193 : i32 to vector<16xi32>
        %parallel_loop3A_195 = tpu.vector_load_idx %arg8[%parallel_loop3A_194, %parallel_loop3A_140] : memref<8x2048xf32, #tpu.memory_space<vmem>>[vector<16xi32>, vector<16xi32>], vector<16xf32>,
        %parallel_loop3A_196 = tpu.vector_load_idx %arg8[%parallel_loop3A_194, %parallel_loop3A_142] : memref<8x2048xf32, #tpu.memory_space<vmem>>[vector<16xi32>, vector<16xi32>], vector<16xf32>,
        %parallel_loop3A_197 = arith.mulf %parallel_loop3A_148, %parallel_loop3A_196 : vector<16xf32>
        %parallel_loop3A_198 = arith.addf %parallel_loop3A_144, %parallel_loop3A_197 : vector<16xf32>
        %parallel_loop3A_199 = arith.mulf %parallel_loop3A_150, %parallel_loop3A_196 : vector<16xf32>
        %parallel_loop3A_200 = arith.addf %parallel_loop3A_146, %parallel_loop3A_199 : vector<16xf32>
        %parallel_loop3A_201 = arith.mulf %parallel_loop3A_195, %parallel_loop3A_200 : vector<16xf32>
        %parallel_loop3A_202 = arith.addf %parallel_loop3A_198, %parallel_loop3A_201 : vector<16xf32>
        %parallel_loop3A_203 = arith.constant 3 : i32
        %parallel_loop3A_204 = arith.index_cast %parallel_loop3A_203 : i32 to index
        %parallel_loop3A_205 = arith.index_cast %parallel_loop3A_138 : i32 to index
        %parallel_loop3A_206 = tpu.vector_load %arg10[%parallel_loop3A_204, %parallel_loop3A_205] {strides = array<i32>} : memref<8x2048xf32, #tpu.memory_space<vmem>>, vector<16xf32>,
        tpu.vector_store %arg10[%parallel_loop3A_204, %parallel_loop3A_205], %parallel_loop3A_202 {strides = array<i32>} : memref<8x2048xf32, #tpu.memory_space<vmem>>, vector<16xf32>,
        %parallel_loop3A_207 = arith.constant 4 : i32
        %parallel_loop3A_208 = vector.broadcast %parallel_loop3A_207 : i32 to vector<16xi32>
        %parallel_loop3A_209 = tpu.vector_load_idx %arg8[%parallel_loop3A_208, %parallel_loop3A_140] : memref<8x2048xf32, #tpu.memory_space<vmem>>[vector<16xi32>, vector<16xi32>], vector<16xf32>,
        %parallel_loop3A_210 = tpu.vector_load_idx %arg8[%parallel_loop3A_208, %parallel_loop3A_142] : memref<8x2048xf32, #tpu.memory_space<vmem>>[vector<16xi32>, vector<16xi32>], vector<16xf32>,
        %parallel_loop3A_211 = arith.mulf %parallel_loop3A_148, %parallel_loop3A_210 : vector<16xf32>
        %parallel_loop3A_212 = arith.addf %parallel_loop3A_144, %parallel_loop3A_211 : vector<16xf32>
        %parallel_loop3A_213 = arith.mulf %parallel_loop3A_150, %parallel_loop3A_210 : vector<16xf32>
        %parallel_loop3A_214 = arith.addf %parallel_loop3A_146, %parallel_loop3A_213 : vector<16xf32>
        %parallel_loop3A_215 = arith.mulf %parallel_loop3A_209, %parallel_loop3A_214 : vector<16xf32>
        %parallel_loop3A_216 = arith.addf %parallel_loop3A_212, %parallel_loop3A_215 : vector<16xf32>
        %parallel_loop3A_217 = arith.constant 4 : i32
        %parallel_loop3A_218 = arith.index_cast %parallel_loop3A_217 : i32 to index
        %parallel_loop3A_219 = arith.index_cast %parallel_loop3A_138 : i32 to index
        %parallel_loop3A_220 = tpu.vector_load %arg10[%parallel_loop3A_218, %parallel_loop3A_219] {strides = array<i32>} : memref<8x2048xf32, #tpu.memory_space<vmem>>, vector<16xf32>,
        tpu.vector_store %arg10[%parallel_loop3A_218, %parallel_loop3A_219], %parallel_loop3A_216 {strides = array<i32>} : memref<8x2048xf32, #tpu.memory_space<vmem>>, vector<16xf32>,
        %parallel_loop3A_221 = arith.constant 5 : i32
        %parallel_loop3A_222 = vector.broadcast %parallel_loop3A_221 : i32 to vector<16xi32>
        %parallel_loop3A_223 = tpu.vector_load_idx %arg8[%parallel_loop3A_222, %parallel_loop3A_140] : memref<8x2048xf32, #tpu.memory_space<vmem>>[vector<16xi32>, vector<16xi32>], vector<16xf32>,
        %parallel_loop3A_224 = tpu.vector_load_idx %arg8[%parallel_loop3A_222, %parallel_loop3A_142] : memref<8x2048xf32, #tpu.memory_space<vmem>>[vector<16xi32>, vector<16xi32>], vector<16xf32>,
        %parallel_loop3A_225 = arith.mulf %parallel_loop3A_148, %parallel_loop3A_224 : vector<16xf32>
        %parallel_loop3A_226 = arith.addf %parallel_loop3A_144, %parallel_loop3A_225 : vector<16xf32>
        %parallel_loop3A_227 = arith.mulf %parallel_loop3A_150, %parallel_loop3A_224 : vector<16xf32>
        %parallel_loop3A_228 = arith.addf %parallel_loop3A_146, %parallel_loop3A_227 : vector<16xf32>
        %parallel_loop3A_229 = arith.mulf %parallel_loop3A_223, %parallel_loop3A_228 : vector<16xf32>
        %parallel_loop3A_230 = arith.addf %parallel_loop3A_226, %parallel_loop3A_229 : vector<16xf32>
        %parallel_loop3A_231 = arith.constant 5 : i32
        %parallel_loop3A_232 = arith.index_cast %parallel_loop3A_231 : i32 to index
        %parallel_loop3A_233 = arith.index_cast %parallel_loop3A_138 : i32 to index
        %parallel_loop3A_234 = tpu.vector_load %arg10[%parallel_loop3A_232, %parallel_loop3A_233] {strides = array<i32>} : memref<8x2048xf32, #tpu.memory_space<vmem>>, vector<16xf32>,
        tpu.vector_store %arg10[%parallel_loop3A_232, %parallel_loop3A_233], %parallel_loop3A_230 {strides = array<i32>} : memref<8x2048xf32, #tpu.memory_space<vmem>>, vector<16xf32>,
        %parallel_loop3A_235 = arith.constant 6 : i32
        %parallel_loop3A_236 = vector.broadcast %parallel_loop3A_235 : i32 to vector<16xi32>
        %parallel_loop3A_237 = tpu.vector_load_idx %arg8[%parallel_loop3A_236, %parallel_loop3A_140] : memref<8x2048xf32, #tpu.memory_space<vmem>>[vector<16xi32>, vector<16xi32>], vector<16xf32>,
        %parallel_loop3A_238 = tpu.vector_load_idx %arg8[%parallel_loop3A_236, %parallel_loop3A_142] : memref<8x2048xf32, #tpu.memory_space<vmem>>[vector<16xi32>, vector<16xi32>], vector<16xf32>,
        %parallel_loop3A_239 = arith.mulf %parallel_loop3A_148, %parallel_loop3A_238 : vector<16xf32>
        %parallel_loop3A_240 = arith.addf %parallel_loop3A_144, %parallel_loop3A_239 : vector<16xf32>
        %parallel_loop3A_241 = arith.mulf %parallel_loop3A_150, %parallel_loop3A_238 : vector<16xf32>
        %parallel_loop3A_242 = arith.addf %parallel_loop3A_146, %parallel_loop3A_241 : vector<16xf32>
        %parallel_loop3A_243 = arith.mulf %parallel_loop3A_237, %parallel_loop3A_242 : vector<16xf32>
        %parallel_loop3A_244 = arith.addf %parallel_loop3A_240, %parallel_loop3A_243 : vector<16xf32>
        %parallel_loop3A_245 = arith.constant 6 : i32
        %parallel_loop3A_246 = arith.index_cast %parallel_loop3A_245 : i32 to index
        %parallel_loop3A_247 = arith.index_cast %parallel_loop3A_138 : i32 to index
        %parallel_loop3A_248 = tpu.vector_load %arg10[%parallel_loop3A_246, %parallel_loop3A_247] {strides = array<i32>} : memref<8x2048xf32, #tpu.memory_space<vmem>>, vector<16xf32>,
        tpu.vector_store %arg10[%parallel_loop3A_246, %parallel_loop3A_247], %parallel_loop3A_244 {strides = array<i32>} : memref<8x2048xf32, #tpu.memory_space<vmem>>, vector<16xf32>,
        %parallel_loop3A_249 = arith.constant 7 : i32
        %parallel_loop3A_250 = vector.broadcast %parallel_loop3A_249 : i32 to vector<16xi32>
        %parallel_loop3A_251 = tpu.vector_load_idx %arg8[%parallel_loop3A_250, %parallel_loop3A_140] : memref<8x2048xf32, #tpu.memory_space<vmem>>[vector<16xi32>, vector<16xi32>], vector<16xf32>,
        %parallel_loop3A_252 = tpu.vector_load_idx %arg8[%parallel_loop3A_250, %parallel_loop3A_142] : memref<8x2048xf32, #tpu.memory_space<vmem>>[vector<16xi32>, vector<16xi32>], vector<16xf32>,
        %parallel_loop3A_253 = arith.mulf %parallel_loop3A_148, %parallel_loop3A_252 : vector<16xf32>
        %parallel_loop3A_254 = arith.addf %parallel_loop3A_144, %parallel_loop3A_253 : vector<16xf32>
        %parallel_loop3A_255 = arith.mulf %parallel_loop3A_150, %parallel_loop3A_252 : vector<16xf32>
        %parallel_loop3A_256 = arith.addf %parallel_loop3A_146, %parallel_loop3A_255 : vector<16xf32>
        %parallel_loop3A_257 = arith.mulf %parallel_loop3A_251, %parallel_loop3A_256 : vector<16xf32>
        %parallel_loop3A_258 = arith.addf %parallel_loop3A_254, %parallel_loop3A_257 : vector<16xf32>
        %parallel_loop3A_259 = arith.constant 7 : i32
        %parallel_loop3A_260 = arith.index_cast %parallel_loop3A_259 : i32 to index
        %parallel_loop3A_261 = arith.index_cast %parallel_loop3A_138 : i32 to index
        %parallel_loop3A_262 = tpu.vector_load %arg10[%parallel_loop3A_260, %parallel_loop3A_261] {strides = array<i32>} : memref<8x2048xf32, #tpu.memory_space<vmem>>, vector<16xf32>,
        tpu.vector_store %arg10[%parallel_loop3A_260, %parallel_loop3A_261], %parallel_loop3A_258 {strides = array<i32>} : memref<8x2048xf32, #tpu.memory_space<vmem>>, vector<16xf32>,
      } {sc.loop_unroll_factor = 2 : i64, sc.parallel_access}
      %mul3A_129 = arith.constant 8 : i32
      %mul3A_130 = arith.muli %add3A_84, %mul3A_129 : i32
      %add3A_131 = arith.addi %mul3A_2, %mul3A_130 : i32
      %dma_start3A_132 = arith.constant 0 : i32
      %dma_start3A_133 = tpu.memref_slice %arg6[%add3A_131, %dma_start3A_132] : memref<4096x2048xf32, #tpu.memory_space<hbm>> -> memref<8x2048xf32, #tpu.memory_space<hbm>>
      %dma_start3A_134 = arith.constant 0 : i32
      %dma_start3A_135 = tpu.memref_slice %arg6[%add3A_131, %dma_start3A_134] : memref<4096x2048xf32, #tpu.memory_space<hbm>> -> memref<8x2048xf32, #tpu.memory_space<hbm>>
      tpu.enqueue_dma source(%arg10 : memref<8x2048xf32, #tpu.memory_space<vmem>>) target(%dma_start3A_135 : memref<8x2048xf32, #tpu.memory_space<hbm>>) target_semaphore(%arg20 : memref<!tpu.dma_semaphore, #tpu.memory_space<semaphore_mem>>)
    }
    %scan3A_67 = arith.constant 8 : i32
    %add3A_68 = arith.constant 112 : i32
    %add3A_69 = arith.addi %mul3A_2, %add3A_68 : i32
    %dma_wait3A_70 = arith.constant 0 : i32
    %dma_wait3A_71 = tpu.memref_slice %arg6[%add3A_69, %dma_wait3A_70] : memref<4096x2048xf32, #tpu.memory_space<hbm>> -> memref<8x2048xf32, #tpu.memory_space<hbm>>
    %dma_wait3A_72 = arith.constant 0 : i32
    %dma_wait3A_73 = tpu.memref_slice %arg6[%add3A_69, %dma_wait3A_72] : memref<4096x2048xf32, #tpu.memory_space<hbm>> -> memref<8x2048xf32, #tpu.memory_space<hbm>>
    tpu.wait_dma2 semaphore(%arg19 : memref<!tpu.dma_semaphore, #tpu.memory_space<semaphore_mem>>) src(%arg9 : memref<8x2048xf32, #tpu.memory_space<vmem>>) dst(%dma_wait3A_73 : memref<8x2048xf32, #tpu.memory_space<hbm>>)
    %add3A_74 = arith.constant 120 : i32
    %add3A_75 = arith.addi %mul3A_2, %add3A_74 : i32
    %dma_wait3A_76 = arith.constant 0 : i32
    %dma_wait3A_77 = tpu.memref_slice %arg6[%add3A_75, %dma_wait3A_76] : memref<4096x2048xf32, #tpu.memory_space<hbm>> -> memref<8x2048xf32, #tpu.memory_space<hbm>>
    %dma_wait3A_78 = arith.constant 0 : i32
    %dma_wait3A_79 = tpu.memref_slice %arg6[%add3A_75, %dma_wait3A_78] : memref<4096x2048xf32, #tpu.memory_space<hbm>> -> memref<8x2048xf32, #tpu.memory_space<hbm>>
    tpu.wait_dma2 semaphore(%arg20 : memref<!tpu.dma_semaphore, #tpu.memory_space<semaphore_mem>>) src(%arg10 : memref<8x2048xf32, #tpu.memory_space<vmem>>) dst(%dma_wait3A_79 : memref<8x2048xf32, #tpu.memory_space<hbm>>)
    return
  }
}

module attributes {stable_mosaic.version = 14 : i64} {
  func.func @_coeff_body(%arg0: memref<16x2048xf32, #tpu.memory_space<vmem>>, %arg1: memref<8x16xf32, #tpu.memory_space<vmem>>, %arg2: memref<8x2048xf32, #tpu.memory_space<vmem>>) attributes {dimension_semantics = [], scalar_prefetch = 0 : i64, scratch_operands = 0 : i64, tpu.core_type = #tpu.core_type<tc>} {
    %get3A = arith.constant 0 : index
    %get3A_0 = arith.constant 0 : index
    %get3A_1 = vector.load %arg0[%get3A, %get3A_0] : memref<16x2048xf32, #tpu.memory_space<vmem>>, vector<16x2048xf32>
    %reduce_max3A = arith.constant dense<0xFF800000> : vector<2048xf32>
    %reduce_max3A_2 = vector.multi_reduction <maximumf>, %get3A_1, %reduce_max3A [0] : vector<16x2048xf32> to vector<2048xf32>
    %broadcast_in_dim3A = vector.shape_cast %reduce_max3A_2 : vector<2048xf32> to vector<1x2048xf32>
    %sub3A = vector.broadcast %broadcast_in_dim3A : vector<1x2048xf32> to vector<16x2048xf32>
    %sub3A_3 = arith.subf %get3A_1, %sub3A : vector<16x2048xf32>
    %exp3A = math.exp %sub3A_3 : vector<16x2048xf32>
    %reduce_sum3A = arith.constant dense<0.000000e+00> : vector<2048xf32>
    %reduce_sum3A_4 = vector.multi_reduction <add>, %exp3A, %reduce_sum3A [0] : vector<16x2048xf32> to vector<2048xf32>
    %broadcast_in_dim3A_5 = vector.shape_cast %reduce_sum3A_4 : vector<2048xf32> to vector<1x2048xf32>
    %div3A = vector.broadcast %broadcast_in_dim3A_5 : vector<1x2048xf32> to vector<16x2048xf32>
    %div3A_6 = arith.divf %exp3A, %div3A : vector<16x2048xf32>
    %get3A_7 = arith.constant 0 : index
    %get3A_8 = arith.constant 0 : index
    %get3A_9 = vector.load %arg1[%get3A_7, %get3A_8] : memref<8x16xf32, #tpu.memory_space<vmem>>, vector<8x16xf32>
    %dot_general3A = arith.constant dense<0.000000e+00> : vector<8x2048xf32>
    %dot_general3A_10 = tpu.matmul %get3A_9, %div3A_6, %dot_general3A {dimension_numbers = #tpu.dot_dimension_numbers<[1], [0], [0], [1], [0, 0, 1, 1], [], []>, transpose_lhs_hint = false} : vector<8x16xf32>, vector<16x2048xf32>, vector<8x2048xf32> -> vector<8x2048xf32>
    %swap3A = arith.constant 0 : index
    %swap3A_11 = arith.constant 0 : index
    %swap3A_12 = vector.load %arg2[%swap3A, %swap3A_11] : memref<8x2048xf32, #tpu.memory_space<vmem>>, vector<8x2048xf32>
    tpu.vector_store %arg2[%swap3A, %swap3A_11], %dot_general3A_10 {strides = array<i32>} : memref<8x2048xf32, #tpu.memory_space<vmem>>, vector<8x2048xf32>,
    return
  }
}

</mosaic_0001>

<sc_bundles>
// kernel: kernel.4.cloned.1.call-start
scs
__scs_entry_jumppad:
0x0: {  	(pc) =	sbr.rel $0x88, $3  }
0x1: {  	(tag) =	ssettag $0x0;
	lr =	simm.s32 $0x1  }
0x2: {  	[smem:$0x3F9E] =	sst lr;
	_ =	strace $0xD0000000  }
0x3: {  	_ = 	snop  }
0x4: {  	_ = 	snop  }
0x5: {  	_ = 	snop  }
0x6: {  	_ = 	snop  }
0x7: {  	_ = 	snop  }
__scs_overlays_trampoline_lowered:
0x8: {  	[smem:$0x3FAD] =	sst s0  }
0x9: {  	[smem:$0x3FAE] =	sst s1  }
0xa: {  	[smem:$0x3FAF] =	sst s2  }
0xb: {  	[smem:$0x3FB0] =	sst s3  }
0xc: {  	[smem:$0x3FB1] =	sst s4  }
0xd: {  	[smem:$0x3FB2] =	sst s5  }
0xe: {  	[smem:$0x3FB3] =	sst s6  }
0xf: {  	[smem:$0x3FB4] =	sst s7  }
0x10: {  	[smem:$0x3FB5] =	sst s8  }
0x11: {  	[smem:$0x3FB6] =	sst s9;
	s0 =	simm.s32 @!p0 $0x0  }
0x12: {  	s1 =	sld [smem:$0x3F9C];
	s0 =	simm.s32 @p0 $0x1  }
0x13: {  	[smem:$0x3FB7] =	sst s0;
	s0 =	simm.s32 @!p1 $0x0  }
0x14: {  	s2 =	sld [smem:$0x3F9B];
	s0 =	simm.s32 @p1 $0x1  }
0x15: {  	[smem:$0x3FB8] =	sst s0;
	s0 =	simm.s32 @!p2 $0x0  }
0x16: {  	s3 =	sld [smem:$0x3FDB];
	s0 =	simm.s32 @p2 $0x1  }
0x17: {  	s4 =	simm.s32 $0x1BF5;
	[smem:$0x3FBA] =	sst s0  }
0x18: {  	s0 =	sld [smem:$0x3F9D];
	_ =	swait.ge [sflag:s4], $0x0  }
0x19: {  	s7 =	sld [smem:$0x3F9E]  }
0x1a: {  	s8 =	sadd.s32 $0xFFFFE003, lr  }
0x1b: {  	s9 =	sadd.s32 $0xFFFFFEF7, lr;
	s5 =	simm.s32 $0xFFFFFFFF;
	p2 =	slt.u32 s8, $0xFFFFF086  }
0x1c: {  	p1 =	slt.u32 s9, $0xF7A;
	s5 =	simm.s32 @!p2 $0x0  }
0x1d: {  	s5 =	simm.s32 @p1 $0x1;
	p0 =	seq.s32 s7, s2  }
0x1e: {  	s7 =	smul.u32 @!p0 $0xF7A, s2;
	p2 =	seq.s32 @!p0 s5, $0x0  }
0x1f: {  	s9 =	smul.u32 $0xF7A, s1;
	s8 =	simm.s32 @!p0 $0x1BF5;
	p2 =	por !p2, p0  }
0x20: {  	[sflag:s8] =	ssyncset.s32 @!p0 $0xFFFFF086;
	s6 =	sadd.s32 @!p0 s3, s7;
	s7 =	simm.s32 @!p0 $0x108  }
0x21: {  	s3 =	sadd.s32 s3, s9;
	s6 =	sadd.s32 @!p0 $0x88, s6;
	s7 =	simm.s32 @p2 $0x1082  }
0x22: {  	[simem:s7], [sflag:s8] =	dma.local @!p0 [hbm:s6], $0xF7A  }
0x23: {  	s9 =	sor.u32 $0xD0000000, s2;
	s6 =	simm.s32 $0x108;
	_ =	swait.ge @!p0 [sflag:s8], $0x0  }
0x24: {  	s3 =	sadd.s32 $0x88, s3;
	s6 =	simm.s32 @!p1 $0x1082;
	[sflag:s4] =	ssyncset.s32 $0xFFFFF086  }
0x25: {  	[simem:s6], [sflag:s4] =	dma.local [hbm:s3], $0xF7A  }
0x26: {  	[smem:$0x3F9E] =	sst s1;
	(tag) =	ssettag s2;
	_ =	strace s9  }
0x27: {  	s1 =	sld [smem:$0x3FAE]  }
0x28: {  	s2 =	sld [smem:$0x3FAF]  }
0x29: {  	s4 =	sld [smem:$0x3FB1]  }
0x2a: {  	p0 =	seq.s32 s5, $0x0;
	s5 =	sld [smem:$0x3FB2]  }
0x2b: {  	s6 =	sld [smem:$0x3FB3]  }
0x2c: {  	s7 =	sld [smem:$0x3FB4]  }
0x2d: {  	s3 =	simm.s32 $0x108;
	s8 =	sld [smem:$0x3FB5]  }
0x2e: {  	s3 =	simm.s32 @!p0 $0x1082;
	s9 =	sld [smem:$0x3FB6]  }
0x2f: {  	lr =	sadd.s32 s0, s3;
	s0 =	sld [smem:$0x3FAD]  }
0x30: {  	s3 =	sld [smem:$0x3FB0]  }
0x31: {  	[smem:$0x3FB9] =	sst s10  }
0x32: {  	s10 =	sld [smem:$0x3FB7];
	_ =	sdelay $0x3  }
0x33: {  	p0 =	seq.s32 s10, $0x1;
	s10 =	sld [smem:$0x3FB9];
	_ =	sdelay $0x3  }
0x34: {  	[smem:$0x3FB9] =	sst s10  }
0x35: {  	s10 =	sld [smem:$0x3FB8];
	_ =	sdelay $0x3  }
0x36: {  	p1 =	seq.s32 s10, $0x1;
	s10 =	sld [smem:$0x3FB9];
	_ =	sdelay $0x3  }
0x37: {  	[smem:$0x3FB9] =	sst s10  }
0x38: {  	s10 =	sld [smem:$0x3FBA]  }
0x39: {  	_ = 	snop;
	(pc) =	sbr.ind lr, $3  }
0x3a: {  	_ = 	snop  }
0x3b: {  	_ = 	snop  }
0x3c: {  	p2 =	seq.s32 s10, $0x1;
	s10 =	sld [smem:$0x3FB9]  }
0x3d: {  	_ =	shalt  }
0x3e: {  	_ =	shalt  }
0x3f: {  	_ =	shalt  }
0x40: {  	_ =	shalt  }
0x41: {  	_ =	shalt  }
0x42: {  	_ =	shalt  }
0x43: {  	_ =	shalt  }
0x44: {  	_ =	shalt  }
0x45: {  	_ =	shalt  }
0x46: {  	_ =	shalt  }
0x47: {  	_ =	shalt  }
0x48: {  	_ =	shalt  }
0x49: {  	_ =	shalt  }
0x4a: {  	_ =	shalt  }
0x4b: {  	_ =	shalt  }
0x4c: {  	_ =	shalt  }
0x4d: {  	_ =	shalt  }
0x4e: {  	_ =	shalt  }
0x4f: {  	_ =	shalt  }
0x50: {  	_ =	shalt  }
0x51: {  	_ =	shalt  }
0x52: {  	_ =	shalt  }
0x53: {  	_ =	shalt  }
0x54: {  	_ =	shalt  }
0x55: {  	_ =	shalt  }
0x56: {  	_ =	shalt  }
0x57: {  	_ =	shalt  }
0x58: {  	_ =	shalt  }
0x59: {  	_ =	shalt  }
0x5a: {  	_ =	shalt  }
0x5b: {  	_ =	shalt  }
0x5c: {  	_ =	shalt  }
0x5d: {  	_ =	shalt  }
0x5e: {  	_ =	shalt  }
0x5f: {  	_ =	shalt  }
0x60: {  	_ =	shalt  }
0x61: {  	_ =	shalt  }
0x62: {  	_ =	shalt  }
0x63: {  	_ =	shalt  }
0x64: {  	_ =	shalt  }
0x65: {  	_ =	shalt  }
0x66: {  	_ =	shalt  }
0x67: {  	_ =	shalt  }
0x68: {  	_ =	shalt  }
0x69: {  	_ =	shalt  }
0x6a: {  	_ =	shalt  }
0x6b: {  	_ =	shalt  }
0x6c: {  	_ =	shalt  }
0x6d: {  	_ =	shalt  }
0x6e: {  	_ =	shalt  }
0x6f: {  	_ =	shalt  }
0x70: {  	_ =	shalt  }
0x71: {  	_ =	shalt  }
0x72: {  	_ =	shalt  }
0x73: {  	_ =	shalt  }
0x74: {  	_ =	shalt  }
0x75: {  	_ =	shalt  }
0x76: {  	_ =	shalt  }
0x77: {  	_ =	shalt  }
0x78: {  	_ =	shalt  }
0x79: {  	_ =	shalt  }
0x7a: {  	_ =	shalt  }
0x7b: {  	_ =	shalt  }
0x7c: {  	_ =	shalt  }
0x7d: {  	_ =	shalt  }
0x7e: {  	_ =	shalt  }
0x7f: {  	_ =	shalt  }
0x80: {  	_ =	shalt  }
0x81: {  	_ =	shalt  }
0x82: {  	_ =	shalt  }
0x83: {  	_ =	shalt  }
0x84: {  	_ =	shalt  }
0x85: {  	_ =	shalt  }
0x86: {  	_ =	shalt  }
0x87: {  	_ =	shalt  }
.Lfunc_end0:
.L_simem_size_0:
called_computation_lowered:
.L_overlay_start_0:
0x88: {  	s2 =	sld [smem:$0x3FD9]  }
0x89: {  	s3 =	sld [smem:$0x3FFE];
	_ =	sdelay $0x1  }
0x8a: {  	s1 =	srdreg.scid  }
0x8b: {  	s0 =	sand.u32 $0x1, s1  }
0x8c: {  	s17 =	sshll.u32 s0, $0xA;
	s2 =	sadd.s32 s3, s2  }
0x8d: {  	s2 =	sadd.s32 s2, s17  }
0x8e: {  	[smem:$0x3FC5] =	sst s2  }
0x8f: {  	_ = 	snop  }
0x90: {  	s2 =	sld [smem:$0x3FC9]  }
0x91: {  	s18 =	sld [smem:$0x3FD0];
	(tm) =	ssettm $0x1  }
0x92: {  	s4 =	sld [smem:$0x3FFB];
	_ =	sdelay $0x3  }
0x93: {  	_ =	strace s4  }
0x94: {  	s4 =	sld [smem:$0x3FFC];
	_ =	sdelay $0x3  }
0x95: {  	_ =	strace s4  }
0x96: {  	s4 =	sld [smem:$0x3FFD];
	_ =	sdelay $0x3  }
0x97: {  	_ =	strace s4  }
0x98: {  	_ =	strace $0x8FFFFFFF  }
0x99: {  	s19 =	sld [smem:$0x3FDB];
	_ =	sdelay $0x1  }
0x9a: {  	s5 =	simm.s32 $_scs_section_size  }
0x9b: {  	s6 =	simm.s32 $_size__tile_overlayer_lowered;
	s7 =	simm.s32 $_tile_overlayer_lowered  }
0x9c: {  	s22 =	simm.s32 $0x1BFF;
	s21 =	sshll.u32 s7, $0x1;
	s4 =	sadd.s32 s5, s19  }
0x9d: {  	s8 =	simm.s32 $0x0;
	s20 =	sshll.u32 s6, $0x1;
	s6 =	sadd.s32 s21, s4  }
0x9e: {  	[timem:s8], [sflag:s22] =	dma.local [hbm:s6], s20  }
0x9f: {  	_ =	swait.ge [sflag:s22], s20  }
0xa0: {  	s5 =	ssub.s32 $0x0, s20;
	[sflag:s22] =	ssyncset.done $0x0  }
0xa1: {  	[sflag:s22] =	ssyncadd.s32 s5;
	_ =	sdelay $0x1  }
0xa2: {  	s23 =	simm.s32 $0x1B8B  }
0xa3: {  	_ =	swait.ge [sflag:s23], $0x1  }
0xa4: {  	[sflag:s23] =	ssyncset.done $0x0  }
0xa5: {  	s25 =	simm.s32 $0x1B8E;
	s24 =	sld [smem:$0x3FFE];
	[sflag:s23] =	ssyncadd.s32 $0xFFFFFFFF  }
0xa6: {  	s26 =	simm.s32 $execute0_lowered;
	[smem:$0x3FD2] =	sst s25  }
0xa7: {  	s6 =	sshll.u32 s26, $0x1;
	_ =	strace $0x80000046;
	[dreg:$0x1] =	wrdreg $0xFFFFFFFF  }
0xa8: {  	s28 =	simm.s32 $_size_execute0_lowered;
	s4 =	sadd.s32 s4, s6;
	[dreg:$0x0] =	wrdreg $0x0  }
0xa9: {  	s6 =	sshll.u32 s28, $0x1;
	[dreg:$0x2] =	wrdreg s4  }
0xaa: {  	[dreg:$0x3] =	wrdreg s6  }
0xab: {  	[dreg:$0x4] =	wrdreg $0xC0  }
0xac: {  	_ =	task [dreg:s8], $0x5FFFF  }
0xad: {  	[dreg:$0x1] =	wrdreg $0xFFFFFFFF  }
0xae: {  	[dreg:$0x0] =	wrdreg $0x60  }
0xaf: {  	[dreg:$0x2] =	wrdreg s2  }
0xb0: {  	[dreg:$0x3] =	wrdreg s24  }
0xb1: {  	[dreg:$0x4] =	wrdreg s18  }
0xb2: {  	[dreg:$0x5] =	wrdreg $0x9  }
0xb3: {  	_ =	task.clear_ibuf [dreg:s8], $0x6FFFF;
	_ =	strace $0x90000046  }
0xb4: {  	s29 =	simm.s32 $0x9;
	_ =	strace $0x80000048  }
0xb5: {  	_ =	swait.ge [sflag:s29], $0x1  }
0xb6: {  	[sflag:s29] =	ssyncadd.s32 $0xFFFFFFFF  }
0xb7: {  	_ =	strace $0x90000048  }
0xb8: {  	_ =	sfence  }
0xb9: {  	s30 =	sld [smem:$0x0];
	_ =	sdelay $0x2  }
0xba: {  	s31 =	sshll.u32 s1, $0xD;
	s1 =	sshrl.u32 s1, $0x2  }
0xbb: {  	s3 =	sand.u32 $0x4000, s31;
	s1 =	sadd.s32 s1, s30  }
0xbc: {  	s0 =	sor.u32 s3, s0;
	s1 =	sshll.u32 s1, $0x11  }
0xbd: {  	s0 =	sor.u32 s1, s0  }
0xbe: {  	s0 =	sadd.s32 $0x8F2B, s0  }
0xbf: {  	[sflag:s0] =	ssyncadd.remote.s32 $0x1  }
0xc0: {  	_ =	sfence.sel $0xFFFF  }
0xc1: {  	[dreg:$0x0] =	wrdreg $0xFFFFFFFF;
	(pc) =	sbr.abs _section_cstart, $3  }
0xc2: {  	[dreg:$0x1] =	wrdreg $0xFFFFFFFF  }
0xc3: {  	_ =	task.clear_ibuf [dreg:s8], $0x2FFFF;
	_ =	strace $0x9FFFFFFF  }
0xc4: {  	(tm) =	ssettm $0x7FFFFFFF  }
0xc5: {  	_ =	shalt  }
tec
execute0_lowered:
.L_overlay_start_1:
0x0: {  	(tag) =	ssettag $0x1  }
0x1: {  	s31 =	rddreg [dreg:$0x0]  }
0x2: {  	s0 =	rddreg [dreg:$0x1]  }
0x3: {  	s6 =	rddreg [dreg:$0x2];
	s3 =	simm.s32 $0x0;
	s1 =	srdreg.scid  }
0x4: {  	s5 =	stileid.u32;
	[smem:$0x7FF] =	sst s3;
	s2 =	sadd.s32 $0x1000, s0  }
0x5: {  	s21 =	sadd.s32 $0xE00, s0;
	_ =	strace $0x80000047;
	[dreg:$0x4] =	wrdreg s2  }
0x6: {  	s1 =	sand.u32 $0x1, s1;
	s22 =	sadd.s32 $0xC00, s0;
	[dreg:$0x5] =	wrdreg s21  }
0x7: {  	s5 =	sshll.u32 s5, $0x8;
	s24 =	sadd.s32 $0x1010, s0;
	[dreg:$0x6] =	wrdreg s22  }
0x8: {  	s25 =	sadd.s32 $0x1020, s0;
	s0 =	sadd.s32 $0x1030, s0;
	[dreg:$0x7] =	wrdreg s24  }
0x9: {  	s23 =	ssub.s32 $0x2, s1;
	s1 =	sshll.u32 s1, $0x7;
	[dreg:$0x8] =	wrdreg s25  }
0xa: {  	s29 =	simm.s32 $0x2;
	[dreg:$0x9] =	wrdreg s0;
	s8 =	sor.u32 s1, s5  }
0xb: {  	s25 =	simm.s32 $0x1;
	s4 =	sshrl.u32 s23, $0x1;
	s26 =	sshll.u32 s8, $0x8  }
0xc: {  	s2 =	ssub.s32 s23, s4;
	s14 =	sor.u32 $0x10, s8;
	s28 =	sadd.s32 s31, s26  }
0xd: {  	s13 =	sadd.s32 s6, s26;
	s30 =	smax.u32 s2, $0x1;
	[dreg:$0xa] =	wrdreg s28  }
0xe: {  	s26 =	simm.s32 $0x4000;
	s2 =	simm.s32 $0x0;
	[dreg:$0xb] =	wrdreg s30  }
.LBB2_1:
0xf: {  	[dreg:$0xc] =	wrdreg s2  }
0x10: {  	s0 =	rddreg [dreg:$0x5]  }
0x11: {  	s1 =	simm.s32 $0x10000;
	s12 =	rddreg [dreg:$0x6]  }
0x12: {  	[tilespmem:s1], [sflag:$0x5] =	stream.linear.gather [hbm4b:s0+s3], $0x800, $0x38;
	[tilespmem:$0x13000] =	vst v63  }
0x13: {  	s15 =	simm.s32 $0x10800;
	s16 =	rddreg [dreg:$0x4]  }
0x14: {  	[tilespmem:s15], [sflag:$0x5] =	stream.linear.gather [hbm4b:s12+s3], $0x800, $0x38;
	[tilespmem:$0x13000] =	vst v63  }
0x15: {  	s17 =	simm.s32 $0x80;
	s18 =	simm.s32 $0x400;
	s4 =	simm.s32 $0x11000  }
0x16: {  	[tilespmem:s4], [sflag:$0x5] =	stream.strided.gather [hbm4b:s16+s17], $0x800, s18, s17, $0x38;
	[tilespmem:$0x13000] =	vst v63  }
0x17: {  	s19 =	rddreg [dreg:$0x7];
	s20 =	simm.s32 $0x11800  }
0x18: {  	[tilespmem:s20], [sflag:$0x5] =	stream.strided.gather [hbm4b:s19+s17], $0x800, s18, s17, $0x38;
	[tilespmem:$0x13000] =	vst v63  }
0x19: {  	s21 =	rddreg [dreg:$0x8];
	s22 =	simm.s32 $0x12000  }
0x1a: {  	[tilespmem:s22], [sflag:$0x5] =	stream.strided.gather [hbm4b:s21+s17], $0x800, s18, s17, $0x38;
	[tilespmem:$0x13000] =	vst v63  }
0x1b: {  	s23 =	rddreg [dreg:$0x9];
	s24 =	simm.s32 $0x12800  }
0x1c: {  	[tilespmem:s24], [sflag:$0x5] =	stream.strided.gather [hbm4b:s23+s17], $0x800, s18, s17, $0x38;
	[tilespmem:$0x13000] =	vst v63  }
0x1d: {  	s28 =	rddreg [dreg:$0xa];
	s30 =	simm.s32 $0x5  }
0x1e: {  	[tilespmem:s3], [sflag:$0x1] =	stream.linear.gather [hbm4b:s28+s3], $0x4000, $0x38;
	[tilespmem:$0x13000] =	vst v63  }
0x1f: {  	_ =	swait.ge [sflag:s30], $0x800  }
0x20: {  	[sflag:s30] =	ssyncset.done $0x0  }
0x21: {  	[sflag:s30] =	ssyncadd.s32 $0xFFFFF800  }
0x22: {  	_ =	swait.ge [sflag:s30], $0x800  }
0x23: {  	[sflag:s30] =	ssyncset.done $0x0  }
0x24: {  	[sflag:s30] =	ssyncadd.s32 $0xFFFFF800  }
0x25: {  	_ =	swait.ge [sflag:s30], $0x800  }
0x26: {  	[sflag:s30] =	ssyncset.done $0x0  }
0x27: {  	[sflag:s30] =	ssyncadd.s32 $0xFFFFF800  }
0x28: {  	_ =	swait.ge [sflag:s30], $0x800  }
0x29: {  	[sflag:s30] =	ssyncset.done $0x0  }
0x2a: {  	[sflag:s30] =	ssyncadd.s32 $0xFFFFF800  }
0x2b: {  	_ =	swait.ge [sflag:s30], $0x800  }
0x2c: {  	[sflag:s30] =	ssyncset.done $0x0  }
0x2d: {  	[sflag:s30] =	ssyncadd.s32 $0xFFFFF800  }
0x2e: {  	_ =	swait.ge [sflag:s30], $0x800  }
0x2f: {  	[sflag:s30] =	ssyncset.done $0x0  }
0x30: {  	s16 =	simm.s32 $0x0;
	[sflag:s30] =	ssyncadd.s32 $0xFFFFF800  }
.LBB2_2:
0x31: {  	s20 =	sshll.u32 s16, $0x4  }
0x32: {  	s1 =	sor.u32 s20, s8  }
0x33: {  	_ =	swait.ge [sflag:s25], $0x4000;
	p0 =	seq.s32 s16, $0x0;
	s1 =	sshll.u32 s1, $0x8  }
0x34: {  	s21 =	simm.s32 $0x0;
	[sflag:s25] =	ssyncset.done $0x0;
	s17 =	sor.u32 $0x800, s1  }
0x35: {  	s2 =	simm.s32 @!p0 $0x3;
	[sflag:s25] =	ssyncadd.s32 $0xFFFFC000;
	s1 =	sadd.s32 s31, s17  }
0x36: {  	[tilespmem:s26], [sflag:$0x2] =	stream.linear.gather [hbm4b:s1+s3], $0x4000, $0x38;
	[tilespmem:$0x13000] =	vst v63  }
0x37: {  	s23 =	sand.u32 $0x60, s21;
	_ =	swait.ge @!p0 [sflag:s2], $0x4000  }
0x38: {  	s5 =	sand.u32 $0x780, s21;
	s4 =	sor.u32 $0x10, s23;
	[sflag:s2] =	ssyncset.done @!p0 $0x0  }
0x39: {  	s24 =	sor.u32 s5, s4;
	[sflag:s2] =	ssyncadd.s32 @!p0 $0xFFFFC000  }
0x3a: {  	v0 =	vld [tilespmem:s24+$0x10800];
	_ =	sdelay $0x3  }
0x3b: {  	v1 =	vld [tilespmem:s24+$0x10000]  }
0x3c: {  	v2 =	vshll.u32 v0, $0x3  }
0x3d: {  	v0 =	vand.u32 $0x7F, v0;
	v2 =	vand.u32 $0xFFFFFC00, v2  }
0x3e: {  	v35 =	vor.u32 v0, v2  }
0x3f: {  	s30 =	simm.s32 $0x10800  }
0x40: {  	s6 =	simm.s32 $0x10000;
	v0 =	vshll.u32 v1, $0x3;
	v2 =	vld [tilespmem:s30+$0x0]  }
0x41: {  	v3 =	vld [tilespmem:s6+$0x0];
	v1 =	vand.u32 $0x7F, v1;
	v0 =	vand.u32 $0xFFFFFC00, v0  }
0x42: {  	v27 =	vld [tilespmem:s24+$0x12800];
	v34 =	vor.u32 v1, v0  }
0x43: {  	v0 =	vld.idx.msk [tilespmem:v35+s3+$0x0], $0xffff  }
0x44: {  	v25 =	vld [tilespmem:s24+$0x11800]  }
0x45: {  	v26 =	vld [tilespmem:s24+$0x12000];
	v1 =	vshll.u32 v2, $0x3  }
0x46: {  	v24 =	vld [tilespmem:s24+$0x11000];
	v2 =	vand.u32 $0x7F, v2;
	v1 =	vand.u32 $0xFFFFFC00, v1  }
0x47: {  	v4 =	vld.idx.msk [tilespmem:v34+s3+$0x0], $0xffff;
	v32 =	vor.u32 v2, v1  }
0x48: {  	v1 =	vmul.f32 v0, v27  }
0x49: {  	v2 =	vand.u32 $0x7F, v3;
	v3 =	vshll.u32 v3, $0x3  }
0x4a: {  	s6 =	simm.s32 $0x12800;
	v3 =	vand.u32 $0xFFFFFC00, v3;
	v0 =	vmul.f32 v0, v26;
	v1 =	vadd.f32 v1, v25  }
0x4b: {  	v30 =	vld [tilespmem:s6+$0x0];
	v33 =	vor.u32 v2, v3  }
0x4c: {  	s7 =	simm.s32 $0x11800;
	v3 =	vor.u32 $0x80, v35;
	v2 =	vld.idx.msk [tilespmem:v32+s3+$0x0], $0xffff;
	v0 =	vadd.f32 v0, v24;
	v1 =	vmul.f32 v1, v4  }
0x4d: {  	s9 =	simm.s32 $0x12000;
	s10 =	sand.u32 $0x3C00, s21;
	v28 =	vld [tilespmem:s7+$0x0]  }
0x4e: {  	s11 =	simm.s32 $0x11000;
	s2 =	sor.u32 $0x8000, s10;
	v31 =	vld [tilespmem:s9+$0x0];
	v0 =	vadd.f32 v1, v0  }
0x4f: {  	v29 =	vld [tilespmem:s11+$0x0];
	s4 =	sor.u32 s4, s2  }
0x50: {  	v1 =	vld.idx.msk [tilespmem:v33+s3+$0x0], $0xffff;
	[tilespmem:s4+$0x0] =	vst v0;
	v0 =	vor.u32 $0x80, v34  }
0x51: {  	v4 =	vmul.f32 v2, v30;
	v3 =	vld.idx.msk [tilespmem:v3+s3+$0x0], $0xffff;
	_ =	sdelay $0x1  }
0x52: {  	v2 =	vmul.f32 v2, v31;
	v4 =	vadd.f32 v4, v28;
	_ =	sdelay $0x1  }
0x53: {  	v5 =	vor.u32 $0x80, v32;
	v2 =	vadd.f32 v2, v29;
	v1 =	vmul.f32 v4, v1;
	v0 =	vld.idx.msk [tilespmem:v0+s3+$0x0], $0xffff  }
0x54: {  	v4 =	vmul.f32 v3, v27  }
0x55: {  	v1 =	vadd.f32 v1, v2  }
0x56: {  	s2 =	sor.u32 s23, s2;
	v2 =	vmul.f32 v3, v26;
	v3 =	vadd.f32 v4, v25  }
0x57: {  	[tilespmem:s2+$0x0] =	vst v1;
	v4 =	vor.u32 $0x80, v33  }
0x58: {  	v1 =	vld.idx.msk [tilespmem:v5+s3+$0x0], $0xffff;
	v5 =	vor.u32 $0x100, v35;
	v2 =	vadd.f32 v2, v24;
	v0 =	vmul.f32 v3, v0;
	_ =	sdelay $0x1  }
0x59: {  	s12 =	simm.s32 $0x10820;
	v0 =	vadd.f32 v0, v2  }
0x5a: {  	v2 =	vld [tilespmem:s12+$0x0]  }
0x5b: {  	s15 =	simm.s32 $0x20;
	v3 =	vld.idx.msk [tilespmem:v4+s3+$0x0], $0xffff;
	[tilespmem:s4+$0x80] =	vst v0;
	v0 =	vor.u32 $0x100, v34  }
0x5c: {  	s18 =	sand.u32 $0x60, s15;
	v4 =	vmul.f32 v1, v30;
	v6 =	vld.idx.msk [tilespmem:v5+s3+$0x0], $0xffff  }
0x5d: {  	s19 =	sor.u32 $0x10, s18;
	s1 =	sand.u32 $0x780, s15  }
0x5e: {  	s1 =	sor.u32 s1, s19;
	v1 =	vmul.f32 v1, v31;
	v4 =	vadd.f32 v4, v28  }
0x5f: {  	v7 =	vld [tilespmem:s1+$0x10800]  }
0x60: {  	s7 =	simm.s32 $0x10020;
	v8 =	vor.u32 $0x100, v32;
	v1 =	vadd.f32 v1, v29;
	v3 =	vmul.f32 v4, v3;
	v9 =	vld.idx.msk [tilespmem:v0+s3+$0x0], $0xffff  }
0x61: {  	s23 =	simm.s32 $0x11020;
	v10 =	vld [tilespmem:s7+$0x0];
	v12 =	vor.u32 $0x100, v33;
	v4 =	vshll.u32 v2, $0x3;
	v11 =	vmul.f32 v6, v27  }
0x62: {  	s24 =	simm.s32 $0x12020;
	v2 =	vand.u32 $0x7F, v2;
	v4 =	vand.u32 $0xFFFFFC00, v4;
	v0 =	vld [tilespmem:s23+$0x0];
	v1 =	vadd.f32 v3, v1  }
0x63: {  	v5 =	vor.u32 v2, v4;
	v4 =	vld [tilespmem:s24+$0x0];
	v3 =	vmul.f32 v6, v26;
	v6 =	vadd.f32 v11, v25  }
0x64: {  	v13 =	vor.u32 $0x180, v35;
	v2 =	vshll.u32 v7, $0x3;
	[tilespmem:s2+$0x80] =	vst v1;
	v11 =	vld [tilespmem:s1+$0x10000];
	v1 =	vand.u32 $0x7F, v7  }
0x65: {  	s30 =	simm.s32 $0x12820;
	v7 =	vand.u32 $0xFFFFFC00, v2;
	v3 =	vadd.f32 v3, v24;
	v8 =	vld.idx.msk [tilespmem:v8+s3+$0x0], $0xffff;
	v6 =	vmul.f32 v6, v9  }
0x66: {  	v2 =	vld [tilespmem:s30+$0x0];
	v14 =	vor.u32 v1, v7  }
0x67: {  	v1 =	vld [tilespmem:s1+$0x12800];
	v3 =	vadd.f32 v6, v3  }
0x68: {  	v9 =	vld.idx.msk [tilespmem:v12+s3+$0x0], $0xffff  }
0x69: {  	v15 =	vld.idx.msk [tilespmem:v5+s3+$0x0], $0xffff;
	v6 =	vshll.u32 v11, $0x3;
	[tilespmem:s4+$0x100] =	vst v3;
	v3 =	vor.u32 $0x180, v34  }
0x6a: {  	v11 =	vand.u32 $0x7F, v11;
	v7 =	vmul.f32 v8, v30;
	v6 =	vand.u32 $0xFFFFFC00, v6;
	v13 =	vld.idx.msk [tilespmem:v13+s3+$0x0], $0xffff  }
0x6b: {  	v16 =	vand.u32 $0x7F, v10;
	v10 =	vshll.u32 v10, $0x3;
	v17 =	vld.idx.msk [tilespmem:v14+s3+$0x0], $0xffff;
	v12 =	vor.u32 v11, v6  }
0x6c: {  	v10 =	vand.u32 $0xFFFFFC00, v10;
	v8 =	vmul.f32 v8, v31;
	v6 =	vld [tilespmem:s1+$0x11800];
	v18 =	vadd.f32 v7, v28  }
0x6d: {  	v11 =	vor.u32 v16, v10;
	v7 =	vld [tilespmem:s1+$0x12000]  }
0x6e: {  	v16 =	vor.u32 $0x180, v32;
	v10 =	vadd.f32 v8, v29;
	v9 =	vmul.f32 v18, v9;
	v18 =	vld.idx.msk [tilespmem:v3+s3+$0x0], $0xffff  }
0x6f: {  	v8 =	vld [tilespmem:s1+$0x11000];
	v19 =	vmul.f32 v13, v27  }
0x70: {  	s7 =	simm.s32 $0x11820;
	v9 =	vadd.f32 v9, v10;
	v10 =	vld.idx.msk [tilespmem:v12+s3+$0x0], $0xffff  }
0x71: {  	v20 =	vmul.f32 v17, v1;
	v3 =	vld [tilespmem:s7+$0x0];
	v19 =	vadd.f32 v19, v25  }
0x72: {  	v22 =	vor.u32 $0x180, v33;
	v13 =	vmul.f32 v13, v26;
	v21 =	vld.idx.msk [tilespmem:v11+s3+$0x0], $0xffff;
	[tilespmem:s2+$0x100] =	vst v9;
	v9 =	vmul.f32 v17, v7  }
0x73: {  	v17 =	vadd.f32 v20, v6;
	v20 =	vor.u32 $0x200, v35;
	v16 =	vld.idx.msk [tilespmem:v16+s3+$0x0], $0xffff;
	v18 =	vmul.f32 v19, v18  }
0x74: {  	v13 =	vadd.f32 v13, v24;
	v19 =	vmul.f32 v15, v4;
	v15 =	vmul.f32 v15, v2  }
0x75: {  	s22 =	simm.s32 $0x100;
	v9 =	vadd.f32 v9, v8;
	v10 =	vmul.f32 v17, v10  }
0x76: {  	s9 =	sand.u32 $0x3C00, s22;
	v17 =	vor.u32 $0x80, v14;
	v13 =	vadd.f32 v18, v13;
	v15 =	vadd.f32 v15, v3  }
0x77: {  	s1 =	sor.u32 $0x8000, s9;
	v18 =	vadd.f32 v19, v0;
	v19 =	vld.idx.msk [tilespmem:v22+s3+$0x0], $0xffff;
	v9 =	vadd.f32 v10, v9  }
0x78: {  	s5 =	sor.u32 s19, s1;
	s19 =	simm.s32 $0x40;
	v10 =	vor.u32 $0x200, v34;
	[tilespmem:s4+$0x180] =	vst v13;
	v15 =	vmul.f32 v15, v21;
	v21 =	vmul.f32 v16, v30  }
0x79: {  	s7 =	sand.u32 $0x60, s19;
	v13 =	vor.u32 $0x80, v5;
	v16 =	vmul.f32 v16, v31;
	v20 =	vld.idx.msk [tilespmem:v20+s3+$0x0], $0xffff  }
0x7a: {  	s24 =	sand.u32 $0x780, s19;
	s9 =	sor.u32 $0x10, s7;
	[tilespmem:s5+$0x0] =	vst v9;
	v9 =	vor.u32 $0x80, v12;
	v15 =	vadd.f32 v15, v18;
	v18 =	vadd.f32 v21, v28  }
0x7b: {  	s23 =	sor.u32 s18, s1;
	s1 =	sor.u32 s24, s9;
	v17 =	vld.idx.msk [tilespmem:v17+s3+$0x0], $0xffff  }
0x7c: {  	v41 =	vld [tilespmem:s1+$0x10800];
	v16 =	vadd.f32 v16, v29;
	[tilespmem:s23+$0x0] =	vst v15;
	v15 =	vmul.f32 v18, v19;
	v18 =	vor.u32 $0x200, v32  }
0x7d: {  	v21 =	vor.u32 $0x80, v11;
	v10 =	vld.idx.msk [tilespmem:v10+s3+$0x0], $0xffff  }
0x7e: {  	v13 =	vld.idx.msk [tilespmem:v13+s3+$0x0], $0xffff;
	v19 =	vmul.f32 v20, v27;
	v15 =	vadd.f32 v15, v16  }
0x7f: {  	v56 =	vor.u32 $0x300, v35;
	v52 =	vor.u32 $0x280, v32;
	v9 =	vld.idx.msk [tilespmem:v9+s3+$0x0], $0xffff  }
0x80: {  	v43 =	vld [tilespmem:s1+$0x10000];
	v16 =	vor.u32 $0x200, v33;
	v23 =	vmul.f32 v17, v1;
	v19 =	vadd.f32 v19, v25;
	[tilespmem:s2+$0x180] =	vst v15  }
0x81: {  	v42 =	vor.u32 $0x280, v33;
	v17 =	vmul.f32 v17, v7;
	v15 =	vmul.f32 v20, v26;
	v18 =	vld.idx.msk [tilespmem:v18+s3+$0x0], $0xffff  }
0x82: {  	s10 =	simm.s32 $0x10040;
	v21 =	vld.idx.msk [tilespmem:v21+s3+$0x0], $0xffff;
	v20 =	vadd.f32 v23, v6;
	v23 =	vor.u32 $0x280, v35;
	v10 =	vmul.f32 v19, v10  }
0x83: {  	s11 =	simm.s32 $0x10840;
	v22 =	vld [tilespmem:s10+$0x0];
	v15 =	vadd.f32 v15, v24;
	v36 =	vmul.f32 v13, v4;
	v13 =	vmul.f32 v13, v2  }
0x84: {  	v37 =	vor.u32 $0x100, v14;
	v17 =	vadd.f32 v17, v8;
	v19 =	vld [tilespmem:s11+$0x0];
	v20 =	vmul.f32 v20, v9  }
0x85: {  	v63 =	vor.u32 $0x300, v33;
	s12 =	simm.s32 $0x11040;
	v16 =	vld.idx.msk [tilespmem:v16+s3+$0x0], $0xffff;
	v15 =	vadd.f32 v10, v15;
	v38 =	vadd.f32 v13, v3  }
0x86: {  	s15 =	simm.s32 $0x11840;
	v9 =	vld [tilespmem:s12+$0x0];
	v17 =	vadd.f32 v20, v17;
	v20 =	vor.u32 $0x280, v34;
	v39 =	vmul.f32 v18, v30  }
0x87: {  	v10 =	vld [tilespmem:s15+$0x0];
	v36 =	vadd.f32 v36, v0;
	[tilespmem:s4+$0x200] =	vst v15;
	v15 =	vmul.f32 v38, v21;
	v21 =	vor.u32 $0x100, v5  }
0x88: {  	v18 =	vmul.f32 v18, v31;
	v23 =	vld.idx.msk [tilespmem:v23+s3+$0x0], $0xffff;
	[tilespmem:s5+$0x80] =	vst v17;
	v17 =	vor.u32 $0x100, v12;
	v39 =	vadd.f32 v39, v28  }
0x89: {  	v62 =	vor.u32 $0x180, v5;
	v49 =	vor.u32 $0x100, v11;
	s18 =	simm.s32 $0x12040;
	v15 =	vadd.f32 v15, v36;
	v50 =	vld.idx.msk [tilespmem:v37+s3+$0x0], $0xffff  }
0x8a: {  	v51 =	vand.u32 $0x7F, v22;
	v13 =	vld [tilespmem:s18+$0x0];
	v18 =	vadd.f32 v18, v29;
	v16 =	vmul.f32 v39, v16  }
0x8b: {  	v22 =	vshll.u32 v22, $0x3;
	v40 =	vand.u32 $0x7F, v19;
	[tilespmem:s23+$0x80] =	vst v15;
	v20 =	vld.idx.msk [tilespmem:v20+s3+$0x0], $0xffff;
	v15 =	vshll.u32 v19, $0x3  }
0x8c: {  	v19 =	vand.u32 $0xFFFFFC00, v22;
	v21 =	vld.idx.msk [tilespmem:v21+s3+$0x0], $0xffff;
	v15 =	vand.u32 $0xFFFFFC00, v15;
	v18 =	vadd.f32 v16, v18  }
0x8d: {  	v17 =	vld.idx.msk [tilespmem:v17+s3+$0x0], $0xffff;
	v22 =	vmul.f32 v23, v27;
	v16 =	vor.u32 v51, v19;
	v19 =	vor.u32 v40, v15  }
0x8e: {  	s30 =	simm.s32 $0x12840;
	v57 =	vor.u32 $0x180, v14;
	v55 =	vshll.u32 v41, $0x3;
	v53 =	vld.idx.msk [tilespmem:v49+s3+$0x0], $0xffff;
	[tilespmem:s2+$0x200] =	vst v18;
	v18 =	vmul.f32 v50, v1  }
0x8f: {  	v46 =	vshll.u32 v43, $0x3;
	v15 =	vld [tilespmem:s30+$0x0];
	v23 =	vmul.f32 v23, v26;
	v22 =	vadd.f32 v22, v25  }
0x90: {  	v39 =	vand.u32 $0xFFFFFC00, v55;
	v36 =	vmul.f32 v50, v7;
	v54 =	vld.idx.msk [tilespmem:v52+s3+$0x0], $0xffff;
	v18 =	vadd.f32 v18, v6  }
0x91: {  	v23 =	vadd.f32 v23, v24;
	v42 =	vld.idx.msk [tilespmem:v42+s3+$0x0], $0xffff;
	v20 =	vmul.f32 v22, v20;
	v22 =	vand.u32 $0x7F, v41  }
0x92: {  	v36 =	vadd.f32 v36, v8;
	v45 =	vld.idx.msk [tilespmem:v19+s3+$0x0], $0xffff;
	v22 =	vor.u32 v22, v39;
	v18 =	vmul.f32 v18, v17  }
0x93: {  	v60 =	vor.u32 $0x180, v12;
	v59 =	vand.u32 $0xFFFFFC00, v46;
	v20 =	vadd.f32 v20, v23;
	v17 =	vld [tilespmem:s1+$0x11800]  }
0x94: {  	v23 =	vmul.f32 v21, v4;
	v21 =	vmul.f32 v21, v2;
	v36 =	vadd.f32 v18, v36;
	v18 =	vld [tilespmem:s1+$0x12800]  }
0x95: {  	v58 =	vmul.f32 v54, v30;
	[tilespmem:s4+$0x280] =	vst v20;
	v20 =	vor.u32 $0x300, v34;
	v38 =	vmul.f32 v54, v31;
	v54 =	vld.idx.msk [tilespmem:v16+s3+$0x0], $0xffff  }
0x96: {  	v47 =	vadd.f32 v23, v0;
	v21 =	vadd.f32 v21, v3;
	v23 =	vand.u32 $0x7F, v43;
	v40 =	vld.idx.msk [tilespmem:v56+s3+$0x0], $0xffff  }
0x97: {  	v33 =	vor.u32 $0x380, v33;
	v35 =	vor.u32 $0x380, v35;
	v23 =	vor.u32 v23, v59;
	[tilespmem:s5+$0x100] =	vst v36;
	v61 =	vld.idx.msk [tilespmem:v22+s3+$0x0], $0xffff  }
0x98: {  	v49 =	vor.u32 $0x300, v32;
	v21 =	vmul.f32 v21, v53;
	v39 =	vadd.f32 v58, v28;
	v37 =	vld.idx.msk [tilespmem:v57+s3+$0x0], $0xffff  }
0x99: {  	v59 =	vor.u32 $0x180, v11;
	v48 =	vmul.f32 v45, v13;
	v58 =	vmul.f32 v45, v15;
	v36 =	vld.idx.msk [tilespmem:v60+s3+$0x0], $0xffff  }
0x9a: {  	v38 =	vadd.f32 v38, v29;
	v47 =	vadd.f32 v21, v47;
	v21 =	vmul.f32 v39, v42;
	v57 =	vld.idx.msk [tilespmem:v20+s3+$0x0], $0xffff  }
0x9b: {  	v56 =	vor.u32 $0x80, v16;
	v42 =	vadd.f32 v58, v10;
	v20 =	vld [tilespmem:s1+$0x12000];
	v50 =	vmul.f32 v40, v27  }
0x9c: {  	v48 =	vadd.f32 v48, v9;
	v52 =	vld.idx.msk [tilespmem:v23+s3+$0x0], $0xffff;
	v38 =	vadd.f32 v21, v38;
	v40 =	vmul.f32 v40, v26  }
0x9d: {  	v21 =	vld [tilespmem:s1+$0x11000];
	[tilespmem:s23+$0x100] =	vst v47;
	v42 =	vmul.f32 v42, v54;
	v53 =	vmul.f32 v37, v1;
	v50 =	vadd.f32 v50, v25  }
0x9e: {  	s10 =	simm.s32 $0x10060;
	v60 =	vmul.f32 v61, v18;
	v43 =	vld.idx.msk [tilespmem:v62+s3+$0x0], $0xffff;
	v62 =	vor.u32 $0x200, v14;
	v37 =	vmul.f32 v37, v7  }
0x9f: {  	s6 =	simm.s32 $0x200;
	v44 =	vld [tilespmem:s10+$0x0];
	s11 =	sand.u32 $0x3, s21;
	v40 =	vadd.f32 v40, v24;
	[tilespmem:s2+$0x280] =	vst v38;
	v53 =	vadd.f32 v53, v6;
	v39 =	vmul.f32 v50, v57  }
0xa0: {  	s15 =	sand.u32 $0x3C00, s6;
	s1 =	sshll.u32 s11, $0x5;
	v42 =	vadd.f32 v42, v48;
	v49 =	vld.idx.msk [tilespmem:v49+s3+$0x0], $0xffff;
	v41 =	vmul.f32 v61, v20;
	v61 =	vadd.f32 v60, v17  }
0xa1: {  	s18 =	sor.u32 $0x8000, s15;
	s4 =	sadd.s32 $0x0, s1;
	v38 =	vld.idx.msk [tilespmem:v59+s3+$0x0], $0xffff;
	v37 =	vadd.f32 v37, v8;
	v36 =	vmul.f32 v53, v36;
	v39 =	vadd.f32 v39, v40  }
0xa2: {  	s10 =	simm.s32 $0x10860;
	s7 =	sor.u32 s7, s18;
	s19 =	sadd.s32 $0x10, s4;
	v40 =	vld.idx.msk [tilespmem:v63+s3+$0x0], $0xffff;
	v41 =	vadd.f32 v41, v21;
	v45 =	vmul.f32 v61, v52;
	v63 =	vor.u32 $0x80, v22  }
0xa3: {  	v55 =	vor.u32 $0x200, v12;
	v34 =	vor.u32 $0x380, v34;
	s12 =	sor.u32 $0x300, s19;
	v50 =	vld [tilespmem:s10+$0x0];
	[tilespmem:s7+$0x0] =	vst v42;
	v36 =	vadd.f32 v36, v37  }
0xa4: {  	v51 =	vor.u32 $0x80, v19;
	v54 =	vmul.f32 v43, v2;
	[tilespmem:s12+$0x8000] =	vst v39;
	v52 =	vadd.f32 v45, v41;
	v45 =	vld.idx.msk [tilespmem:v56+s3+$0x0], $0xffff  }
0xa5: {  	s9 =	sor.u32 s9, s18;
	v32 =	vor.u32 $0x380, v32;
	v61 =	vmul.f32 v49, v31;
	v49 =	vmul.f32 v49, v30;
	v35 =	vld.idx.msk [tilespmem:v35+s3+$0x0], $0xffff;
	[tilespmem:s5+$0x180] =	vst v36  }
0xa6: {  	v60 =	vor.u32 $0x80, v23;
	v53 =	vmul.f32 v43, v4;
	v58 =	vadd.f32 v54, v3;
	[tilespmem:s9+$0x0] =	vst v52;
	v59 =	vld.idx.msk [tilespmem:v62+s3+$0x0], $0xffff  }
0xa7: {  	v42 =	vshll.u32 v44, $0x3;
	v43 =	vand.u32 $0x7F, v44;
	v49 =	vadd.f32 v49, v28;
	v46 =	vld.idx.msk [tilespmem:v63+s3+$0x0], $0xffff  }
0xa8: {  	v57 =	vadd.f32 v53, v0;
	v34 =	vld.idx.msk [tilespmem:v34+s3+$0x0], $0xffff;
	v38 =	vmul.f32 v58, v38;
	v63 =	vor.u32 $0x200, v5  }
0xa9: {  	v54 =	vor.u32 $0x200, v11;
	v48 =	vadd.f32 v61, v29;
	v62 =	vld.idx.msk [tilespmem:v51+s3+$0x0], $0xffff;
	v40 =	vmul.f32 v49, v40  }
0xaa: {  	v44 =	vand.u32 $0x7F, v50;
	v36 =	vld.idx.msk [tilespmem:v55+s3+$0x0], $0xffff;
	v37 =	vadd.f32 v38, v57;
	v27 =	vmul.f32 v35, v27  }
0xab: {  	v47 =	vld.idx.msk [tilespmem:v60+s3+$0x0], $0xffff;
	v26 =	vmul.f32 v35, v26;
	v57 =	vadd.f32 v40, v48;
	v55 =	vmul.f32 v59, v1  }
0xac: {  	s24 =	sor.u32 $0x300, s4;
	[tilespmem:s23+$0x180] =	vst v37;
	v25 =	vadd.f32 v27, v25;
	v27 =	vmul.f32 v46, v18;
	v56 =	vmul.f32 v59, v7  }
0xad: {  	v60 =	vor.u32 $0x280, v14;
	v58 =	vld.idx.msk [tilespmem:v63+s3+$0x0], $0xffff;
	v24 =	vadd.f32 v26, v24;
	v26 =	vmul.f32 v46, v20;
	[tilespmem:s24+$0x8000] =	vst v57  }
0xae: {  	v61 =	vmul.f32 v62, v13;
	v39 =	vmul.f32 v62, v15;
	v32 =	vld.idx.msk [tilespmem:v32+s3+$0x0], $0xffff;
	v59 =	vadd.f32 v55, v6  }
0xaf: {  	v62 =	vor.u32 $0x100, v22;
	v33 =	vld.idx.msk [tilespmem:v33+s3+$0x0], $0xffff;
	v25 =	vmul.f32 v25, v34;
	v27 =	vadd.f32 v27, v17  }
0xb0: {  	s15 =	simm.s32 $0x12060;
	v34 =	vld.idx.msk [tilespmem:v54+s3+$0x0], $0xffff;
	v35 =	vadd.f32 v56, v8;
	v63 =	vadd.f32 v26, v21;
	v36 =	vmul.f32 v59, v36  }
0xb1: {  	s11 =	simm.s32 $0x11060;
	v57 =	vor.u32 $0x100, v19;
	v52 =	vadd.f32 v61, v9;
	v53 =	vadd.f32 v39, v10;
	v26 =	vld [tilespmem:s15+$0x0]  }
0xb2: {  	s0 =	smov.u32 s31;
	s31 =	simm.s32 $0x60;
	s12 =	simm.s32 $0x11860;
	v41 =	vadd.f32 v25, v24;
	v24 =	vld [tilespmem:s11+$0x0];
	v27 =	vmul.f32 v27, v47;
	v35 =	vadd.f32 v36, v35  }
0xb3: {  	s18 =	simm.s32 $0x12860;
	s24 =	sand.u32 $0x60, s31;
	v54 =	vor.u32 $0x100, v16;
	v56 =	vor.u32 $0x280, v12;
	v25 =	vld [tilespmem:s12+$0x0];
	v55 =	vmul.f32 v58, v2  }
0xb4: {  	s30 =	sand.u32 $0x780, s31;
	s2 =	sor.u32 $0x10, s24;
	v37 =	vmul.f32 v53, v45;
	v40 =	vmul.f32 v58, v4;
	v47 =	vadd.f32 v27, v63;
	v27 =	vld [tilespmem:s18+$0x0];
	[tilespmem:s5+$0x200] =	vst v35  }
0xb5: {  	s28 =	sor.u32 s30, s2;
	v58 =	vor.u32 $0x100, v23;
	v30 =	vmul.f32 v32, v30;
	v48 =	vadd.f32 v55, v3;
	v38 =	vld.idx.msk [tilespmem:v60+s3+$0x0], $0xffff  }
0xb6: {  	v36 =	vadd.f32 v37, v52;
	v32 =	vmul.f32 v32, v31;
	v31 =	vld [tilespmem:s28+$0x10800];
	v59 =	vadd.f32 v40, v0;
	[tilespmem:s9+$0x80] =	vst v47  }
0xb7: {  	v28 =	vadd.f32 v30, v28;
	v46 =	vld.idx.msk [tilespmem:v62+s3+$0x0], $0xffff;
	v34 =	vmul.f32 v48, v34;
	v60 =	vor.u32 $0x280, v5  }
0xb8: {  	v61 =	vor.u32 $0x280, v11;
	v30 =	vshll.u32 v50, $0x3;
	[tilespmem:s7+$0x80] =	vst v36;
	v32 =	vadd.f32 v32, v29;
	v35 =	vld.idx.msk [tilespmem:v56+s3+$0x0], $0xffff  }
0xb9: {  	v29 =	vand.u32 $0xFFFFFC00, v42;
	v42 =	vld.idx.msk [tilespmem:v57+s3+$0x0], $0xffff;
	v33 =	vmul.f32 v28, v33;
	v34 =	vadd.f32 v34, v59  }
0xba: {  	v40 =	vld.idx.msk [tilespmem:v54+s3+$0x0], $0xffff;
	v28 =	vor.u32 v43, v29;
	v29 =	vand.u32 $0xFFFFFC00, v30;
	v30 =	vmul.f32 v38, v1  }
0xbb: {  	v43 =	vld.idx.msk [tilespmem:v58+s3+$0x0], $0xffff;
	v29 =	vor.u32 v44, v29;
	v32 =	vadd.f32 v33, v32;
	[tilespmem:s23+$0x200] =	vst v34  }
0xbc: {  	s30 =	sor.u32 $0x380, s19;
	v62 =	vmul.f32 v46, v18;
	v37 =	vld.idx.msk [tilespmem:v60+s3+$0x0], $0xffff;
	v63 =	vmul.f32 v38, v7;
	v30 =	vadd.f32 v30, v6  }
0xbd: {  	s4 =	sor.u32 $0x380, s4;
	[tilespmem:s30+$0x8000] =	vst v41;
	v34 =	vshll.u32 v31, $0x3;
	v44 =	vmul.f32 v46, v20;
	v36 =	vld.idx.msk [tilespmem:v61+s3+$0x0], $0xffff;
	v38 =	vor.u32 $0x300, v14  }
0xbe: {  	s19 =	simm.s32 $0x6;
	v33 =	vld [tilespmem:s28+$0x10000];
	[tilespmem:s4+$0x8000] =	vst v32;
	s4 =	simm.s32 $0x10080;
	v45 =	vadd.f32 v62, v17;
	v39 =	vadd.f32 v63, v8;
	v41 =	vmul.f32 v30, v35  }
.LBB2_3:
0xbf: {  	v32 =	vld [tilespmem:s4+$0x0];
	v35 =	vand.u32 $0x7F, v31;
	v34 =	vand.u32 $0xFFFFFC00, v34;
	v46 =	vor.u32 $0x180, v22;
	v30 =	vmovc v26;
	v31 =	vmovc v2  }
0xc0: {  	v48 =	vadd.f32 v44, v21;
	v47 =	vld.idx.msk [tilespmem:v28+s3+$0x0], $0xffff;
	v43 =	vmul.f32 v45, v43;
	v39 =	vadd.f32 v41, v39  }
0xc1: {  	v50 =	vmul.f32 v42, v15;
	v44 =	vor.u32 v35, v34;
	v34 =	vmul.f32 v42, v13;
	v41 =	vld.idx.msk [tilespmem:v29+s3+$0x0], $0xffff  }
0xc2: {  	v2 =	vmovc v15;
	v26 =	vld [tilespmem:s28+$0x11800];
	v42 =	vadd.f32 v43, v48;
	v43 =	vmul.f32 v37, v31;
	[tilespmem:s5+$0x280] =	vst v39;
	v39 =	vor.u32 $0x300, v12;
	s5 =	smov.u32 s9  }
0xc3: {  	v15 =	vmovc v27;
	v50 =	vadd.f32 v50, v10;
	v48 =	vadd.f32 v34, v9;
	v45 =	vshll.u32 v33, $0x3;
	v38 =	vld.idx.msk [tilespmem:v38+s3+$0x0], $0xffff  }
0xc4: {  	v35 =	vmovc v16;
	v16 =	vmovc v28;
	v27 =	vand.u32 $0x7F, v33;
	v34 =	vld [tilespmem:s28+$0x12800];
	v33 =	vand.u32 $0xFFFFFC00, v45;
	[tilespmem:s5+$0x100] =	vst v42;
	v42 =	vor.u32 $0x180, v23  }
0xc5: {  	v28 =	vadd.f32 v43, v3;
	v45 =	vor.u32 v27, v33;
	v27 =	vmul.f32 v50, v40;
	v33 =	vld.idx.msk [tilespmem:v46+s3+$0x0], $0xffff  }
0xc6: {  	v49 =	vmovc v5;
	v5 =	vmovc v19;
	v37 =	vmul.f32 v37, v4;
	v43 =	vor.u32 $0x180, v19;
	v46 =	vor.u32 $0x300, v11;
	v40 =	vld.idx.msk [tilespmem:v44+s3+$0x0], $0xffff  }
0xc7: {  	v50 =	vmul.f32 v41, v30;
	v28 =	vmul.f32 v28, v36;
	v48 =	vadd.f32 v27, v48;
	v36 =	vld.idx.msk [tilespmem:v39+s3+$0x0], $0xffff  }
0xc8: {  	v37 =	vadd.f32 v37, v0;
	v19 =	vmovc v29;
	v39 =	vmul.f32 v41, v15;
	v41 =	vor.u32 $0x180, v35;
	v27 =	vld [tilespmem:s28+$0x12000]  }
0xc9: {  	v50 =	vadd.f32 v50, v24;
	[tilespmem:s7+$0x100] =	vst v48;
	v29 =	vld.idx.msk [tilespmem:v42+s3+$0x0], $0xffff;
	v42 =	vor.u32 $0x300, v49;
	v48 =	vmul.f32 v38, v1  }
0xca: {  	v51 =	vor.u32 $0x80, v19;
	v37 =	vadd.f32 v28, v37;
	v39 =	vadd.f32 v39, v25;
	v52 =	vld.idx.msk [tilespmem:v45+s3+$0x0], $0xffff  }
0xcb: {  	s21 =	sadd.s32 $0x1, s21;
	v38 =	vmul.f32 v38, v7;
	v53 =	vmul.f32 v33, v18;
	v28 =	vld [tilespmem:s28+$0x11000];
	v48 =	vadd.f32 v48, v6  }
0xcc: {  	s1 =	sand.u32 $0x3, s21;
	v33 =	vmul.f32 v33, v20;
	v54 =	vmul.f32 v40, v34;
	v43 =	vld.idx.msk [tilespmem:v43+s3+$0x0], $0xffff;
	[tilespmem:s23+$0x280] =	vst v37;
	v37 =	vor.u32 $0x380, v14;
	s23 =	smov.u32 s7  }
0xcd: {  	s1 =	sshll.u32 s1, $0x5;
	v38 =	vadd.f32 v38, v8;
	v53 =	vadd.f32 v53, v17;
	v41 =	vld.idx.msk [tilespmem:v41+s3+$0x0], $0xffff;
	v36 =	vmul.f32 v48, v36  }
0xce: {  	s7 =	sadd.s32 s1, s22;
	v14 =	vmovc v22;
	s22 =	smov.u32 s6;
	v40 =	vmul.f32 v40, v27;
	v48 =	vadd.f32 v54, v26;
	v54 =	vor.u32 $0x200, v22;
	v42 =	vld.idx.msk [tilespmem:v42+s3+$0x0], $0xffff  }
0xcf: {  	v55 =	vadd.f32 v33, v21;
	s1 =	sor.u32 $0x300, s7;
	s30 =	sor.u32 $0x380, s7;
	s28 =	sadd.s32 $0x10, s7;
	v29 =	vmul.f32 v53, v29;
	v46 =	vld.idx.msk [tilespmem:v46+s3+$0x0], $0xffff;
	v36 =	vadd.f32 v36, v38  }
0xd0: {  	s10 =	sadd.s32 $0x20, s10;
	s6 =	sadd.s32 $0x100, s6;
	v22 =	vmovc v44;
	s7 =	sor.u32 $0x300, s28;
	v38 =	vadd.f32 v40, v28;
	v40 =	vmul.f32 v48, v52;
	v48 =	vor.u32 $0x80, v44  }
0xd1: {  	v39 =	vmul.f32 v39, v47;
	s9 =	sand.u32 $0x3C00, s6;
	v44 =	vadd.f32 v29, v55;
	v33 =	vld [tilespmem:s10+$0x0];
	[tilespmem:s7+$0x8000] =	vst v36;
	v36 =	vor.u32 $0x380, v12;
	v12 =	vmovc v23  }
0xd2: {  	s9 =	sor.u32 $0x8000, s9;
	v38 =	vadd.f32 v40, v38;
	v40 =	vmul.f32 v43, v13;
	v43 =	vmul.f32 v43, v2;
	v37 =	vld.idx.msk [tilespmem:v37+s3+$0x0], $0xffff  }
0xd3: {  	v39 =	vadd.f32 v39, v50;
	v29 =	vand.u32 $0x7F, v32;
	s7 =	sor.u32 s24, s9;
	s9 =	sor.u32 s2, s9;
	v23 =	vmovc v45;
	[tilespmem:s5+$0x180] =	vst v44;
	v44 =	vor.u32 $0x200, v12  }
0xd4: {  	v45 =	vor.u32 $0x80, v16;
	[tilespmem:s9+$0x0] =	vst v38;
	v38 =	vadd.f32 v40, v9;
	v40 =	vadd.f32 v43, v10;
	v43 =	vld.idx.msk [tilespmem:v54+s3+$0x0], $0xffff  }
0xd5: {  	[tilespmem:s7+$0x0] =	vst v39;
	v39 =	vor.u32 $0x80, v23;
	v47 =	vld.idx.msk [tilespmem:v48+s3+$0x0], $0xffff;
	v48 =	vmul.f32 v42, v4;
	v42 =	vmul.f32 v42, v31  }
0xd6: {  	v50 =	vshll.u32 v32, $0x3;
	v32 =	vand.u32 $0x7F, v33;
	v40 =	vmul.f32 v40, v41;
	v36 =	vld.idx.msk [tilespmem:v36+s3+$0x0], $0xffff  }
0xd7: {  	v41 =	vld.idx.msk [tilespmem:v51+s3+$0x0], $0xffff;
	v51 =	vor.u32 $0x200, v5;
	v48 =	vadd.f32 v48, v0;
	v42 =	vadd.f32 v42, v3  }
0xd8: {  	v52 =	vmul.f32 v37, v1;
	v1 =	vmovc v18;
	v38 =	vadd.f32 v40, v38;
	v40 =	vor.u32 $0x200, v35;
	v44 =	vld.idx.msk [tilespmem:v44+s3+$0x0], $0xffff  }
0xd9: {  	v49 =	vor.u32 $0x380, v49;
	v18 =	vmovc v34;
	v45 =	vld.idx.msk [tilespmem:v45+s3+$0x0], $0xffff;
	v42 =	vmul.f32 v42, v46;
	v46 =	vor.u32 $0x380, v11;
	v11 =	vmovc v35  }
0xda: {  	v7 =	vmul.f32 v37, v7;
	v35 =	vmul.f32 v43, v1;
	v6 =	vadd.f32 v52, v6;
	v34 =	vld.idx.msk [tilespmem:v39+s3+$0x0], $0xffff  }
0xdb: {  	v37 =	vmul.f32 v47, v18;
	[tilespmem:s23+$0x180] =	vst v38;
	v38 =	vmul.f32 v43, v20;
	v39 =	vadd.f32 v42, v48  }
0xdc: {  	v7 =	vadd.f32 v7, v8;
	v35 =	vadd.f32 v35, v17;
	v48 =	vmul.f32 v6, v36;
	v42 =	vld.idx.msk [tilespmem:v51+s3+$0x0], $0xffff  }
0xdd: {  	v8 =	vmul.f32 v47, v27;
	v36 =	vadd.f32 v37, v26;
	v37 =	vld.idx.msk [tilespmem:v40+s3+$0x0], $0xffff;
	v40 =	vor.u32 $0x280, v14;
	[tilespmem:s1+$0x8000] =	vst v39  }
0xde: {  	v38 =	vadd.f32 v38, v21;
	v35 =	vmul.f32 v35, v44;
	v39 =	vld.idx.msk [tilespmem:v49+s3+$0x0], $0xffff;
	v49 =	vadd.f32 v48, v7  }
0xdf: {  	s11 =	sadd.s32 $0x20, s11;
	v43 =	vmul.f32 v41, v30;
	v41 =	vmul.f32 v41, v15;
	v44 =	vor.u32 $0x100, v22;
	s1 =	sor.u32 $0x380, s28;
	v6 =	vmovc v17;
	v46 =	vld.idx.msk [tilespmem:v46+s3+$0x0], $0xffff  }
0xe0: {  	s12 =	sadd.s32 $0x20, s12;
	v51 =	vadd.f32 v8, v28;
	v34 =	vmul.f32 v36, v34;
	v35 =	vadd.f32 v35, v38;
	v47 =	vld [tilespmem:s11+$0x0];
	[tilespmem:s1+$0x8000] =	vst v49  }
0xe1: {  	s15 =	sadd.s32 $0x20, s15;
	v17 =	vmovc v26;
	v41 =	vadd.f32 v41, v25;
	v48 =	vor.u32 $0x100, v16;
	v7 =	vmovc v20;
	v38 =	vadd.f32 v43, v24;
	v36 =	vld [tilespmem:s12+$0x0]  }
0xe2: {  	s31 =	sadd.s32 $0x20, s31;
	v20 =	vmovc v27;
	v34 =	vadd.f32 v34, v51;
	v43 =	vmul.f32 v42, v2;
	v26 =	vld [tilespmem:s15+$0x0];
	[tilespmem:s5+$0x200] =	vst v35;
	v35 =	vor.u32 $0x280, v12  }
0xe3: {  	s18 =	sadd.s32 $0x20, s18;
	s24 =	sand.u32 $0x60, s31;
	v8 =	vmovc v21;
	v41 =	vmul.f32 v41, v45;
	v45 =	vor.u32 $0x100, v19;
	v42 =	vmul.f32 v42, v13;
	v49 =	vld.idx.msk [tilespmem:v40+s3+$0x0], $0xffff  }
0xe4: {  	s2 =	sor.u32 $0x10, s24;
	v21 =	vmovc v28;
	s1 =	sand.u32 $0x780, s31;
	v40 =	vadd.f32 v43, v10;
	v43 =	vmul.f32 v39, v31;
	v27 =	vld [tilespmem:s18+$0x0];
	[tilespmem:s9+$0x80] =	vst v34;
	v34 =	vor.u32 $0x100, v23  }
0xe5: {  	s28 =	sor.u32 s1, s2;
	v28 =	vadd.f32 v41, v38;
	v41 =	vadd.f32 v42, v9;
	v4 =	vmul.f32 v39, v4;
	v38 =	vld.idx.msk [tilespmem:v44+s3+$0x0], $0xffff  }
0xe6: {  	v39 =	vor.u32 $0x280, v5;
	v37 =	vmul.f32 v40, v37;
	v40 =	vadd.f32 v43, v3;
	v3 =	vmovc v10;
	v10 =	vmovc v25;
	v31 =	vld [tilespmem:s28+$0x10800]  }
0xe7: {  	s19 =	sadd.s32 $0x2, s19;
	v25 =	vshll.u32 v33, $0x3;
	v33 =	vor.u32 $0x280, v11;
	v4 =	vadd.f32 v4, v0;
	v0 =	vmovc v9;
	[tilespmem:s7+$0x80] =	vst v28;
	v35 =	vld.idx.msk [tilespmem:v35+s3+$0x0], $0xffff  }
0xe8: {  	p0 =	slt.u32 s19, $0x7E;
	v9 =	vmovc v24;
	v28 =	vand.u32 $0xFFFFFC00, v50;
	v37 =	vadd.f32 v37, v41;
	v41 =	vmul.f32 v40, v46;
	v42 =	vld.idx.msk [tilespmem:v45+s3+$0x0], $0xffff  }
.Ltmp0:
0xe9: {  	v24 =	vmovc v47;
	v44 =	vand.u32 $0xFFFFFC00, v25;
	v28 =	vor.u32 v29, v28;
	v43 =	vld.idx.msk [tilespmem:v34+s3+$0x0], $0xffff;
	v34 =	vmul.f32 v49, v1;
	(pc) =	sbr.rel @p0 .LBB2_3-.Ltmp0, $4  }
0xea: {  	v29 =	vor.u32 v32, v44;
	v25 =	vmov v36;
	v45 =	vadd.f32 v41, v4;
	v40 =	vld.idx.msk [tilespmem:v48+s3+$0x0], $0xffff;
	[tilespmem:s23+$0x200] =	vst v37  }
0xeb: {  	v32 =	vmul.f32 v38, v18;
	v37 =	vld.idx.msk [tilespmem:v39+s3+$0x0], $0xffff;
	v39 =	vmul.f32 v49, v7;
	v41 =	vadd.f32 v34, v6  }
0xec: {  	v4 =	vmovc v13;
	v44 =	vmul.f32 v38, v20;
	v38 =	vor.u32 $0x300, v14;
	v34 =	vshll.u32 v31, $0x3;
	v36 =	vld.idx.msk [tilespmem:v33+s3+$0x0], $0xffff;
	[tilespmem:s30+$0x8000] =	vst v45  }
0xed: {  	s4 =	sadd.s32 $0x20, s4;
	v13 =	vmovc v30;
	v45 =	vadd.f32 v32, v17;
	v33 =	vld [tilespmem:s28+$0x10000];
	v39 =	vadd.f32 v39, v8;
	v41 =	vmul.f32 v41, v35  }
0xee: {  	_ = 	snop  }
0xef: {  	v30 =	vand.u32 $0x7F, v31;
	v31 =	vand.u32 $0xFFFFFC00, v34  }
0xf0: {  	v35 =	vor.u32 v30, v31;
	_ =	sdelay $0x1  }
0xf1: {  	v30 =	vshll.u32 v33, $0x3  }
0xf2: {  	v46 =	vld.idx.msk [tilespmem:v29+s3+$0x0], $0xffff;
	v31 =	vand.u32 $0x7F, v33;
	v30 =	vand.u32 $0xFFFFFC00, v30  }
0xf3: {  	v33 =	vld [tilespmem:s28+$0x12800];
	v34 =	vor.u32 v31, v30  }
0xf4: {  	v47 =	vld.idx.msk [tilespmem:v35+s3+$0x0], $0xffff  }
0xf5: {  	v32 =	vld [tilespmem:s28+$0x12000]  }
0xf6: {  	v31 =	vld [tilespmem:s28+$0x11800]  }
0xf7: {  	v30 =	vld [tilespmem:s28+$0x11000]  }
0xf8: {  	v48 =	vld.idx.msk [tilespmem:v34+s3+$0x0], $0xffff  }
0xf9: {  	v49 =	vld.idx.msk [tilespmem:v28+s3+$0x0], $0xffff;
	v50 =	vmul.f32 v47, v33  }
0xfa: {  	v51 =	vmul.f32 v46, v27  }
0xfb: {  	v47 =	vmul.f32 v47, v32;
	v50 =	vadd.f32 v50, v31  }
0xfc: {  	v46 =	vmul.f32 v46, v26;
	v51 =	vadd.f32 v51, v25  }
0xfd: {  	s4 =	sadd.s32 $0x100, s6;
	v63 =	vor.u32 $0x80, v35;
	v47 =	vadd.f32 v47, v30;
	v48 =	vmul.f32 v50, v48  }
0xfe: {  	v52 =	vor.u32 $0x80, v29;
	s1 =	sand.u32 $0x3C00, s4;
	v46 =	vadd.f32 v46, v24;
	v49 =	vmul.f32 v51, v49  }
0xff: {  	s1 =	sor.u32 $0x8000, s1;
	v47 =	vadd.f32 v48, v47  }
0x100: {  	s10 =	sor.u32 s2, s1;
	v46 =	vadd.f32 v49, v46  }
0x101: {  	s11 =	sor.u32 s24, s1;
	v53 =	vor.u32 $0x80, v34;
	[tilespmem:s10+$0x0] =	vst v47  }
0x102: {  	v54 =	vor.u32 $0x80, v28;
	[tilespmem:s11+$0x0] =	vst v46;
	v55 =	vld.idx.msk [tilespmem:v63+s3+$0x0], $0xffff  }
0x103: {  	v56 =	vld.idx.msk [tilespmem:v52+s3+$0x0], $0xffff;
	_ =	sdelay $0x2  }
0x104: {  	v47 =	vld.idx.msk [tilespmem:v53+s3+$0x0], $0xffff  }
0x105: {  	v48 =	vld.idx.msk [tilespmem:v54+s3+$0x0], $0xffff;
	v50 =	vmul.f32 v55, v33  }
0x106: {  	v57 =	vmul.f32 v56, v27  }
0x107: {  	v46 =	vmul.f32 v55, v32;
	v50 =	vadd.f32 v50, v31  }
0x108: {  	v49 =	vmul.f32 v56, v26;
	v51 =	vadd.f32 v57, v25  }
0x109: {  	v58 =	vor.u32 $0x100, v35;
	v46 =	vadd.f32 v46, v30;
	v47 =	vmul.f32 v50, v47  }
0x10a: {  	v59 =	vor.u32 $0x100, v29;
	v49 =	vadd.f32 v49, v24;
	v48 =	vmul.f32 v51, v48  }
0x10b: {  	v46 =	vadd.f32 v47, v46  }
0x10c: {  	v60 =	vadd.f32 v48, v49  }
0x10d: {  	v61 =	vor.u32 $0x100, v34;
	[tilespmem:s10+$0x80] =	vst v46  }
0x10e: {  	v62 =	vor.u32 $0x100, v28;
	v54 =	vmul.f32 v42, v15;
	[tilespmem:s11+$0x80] =	vst v60;
	v49 =	vld.idx.msk [tilespmem:v58+s3+$0x0], $0xffff  }
0x10f: {  	v44 =	vadd.f32 v44, v21;
	v50 =	vld.idx.msk [tilespmem:v59+s3+$0x0], $0xffff  }
0x110: {  	v43 =	vmul.f32 v45, v43;
	v56 =	vadd.f32 v54, v10;
	v63 =	vor.u32 $0x180, v22  }
0x111: {  	v55 =	vmul.f32 v42, v13  }
0x112: {  	v43 =	vadd.f32 v43, v44;
	v40 =	vmul.f32 v56, v40;
	v57 =	vld.idx.msk [tilespmem:v61+s3+$0x0], $0xffff  }
0x113: {  	v42 =	vadd.f32 v55, v9;
	v59 =	vld.idx.msk [tilespmem:v62+s3+$0x0], $0xffff;
	v58 =	vor.u32 $0x180, v19;
	v60 =	vmul.f32 v49, v33  }
0x114: {  	[tilespmem:s9+$0x100] =	vst v43;
	v61 =	vor.u32 $0x180, v23;
	v62 =	vmul.f32 v50, v27  }
0x115: {  	v40 =	vadd.f32 v40, v42;
	v47 =	vld.idx.msk [tilespmem:v63+s3+$0x0], $0xffff;
	v63 =	vmul.f32 v49, v32;
	v48 =	vadd.f32 v60, v31  }
0x116: {  	v54 =	vor.u32 $0x180, v16;
	v50 =	vmul.f32 v50, v26;
	v51 =	vadd.f32 v62, v25  }
0x117: {  	v55 =	vor.u32 $0x180, v35;
	[tilespmem:s7+$0x100] =	vst v40;
	v42 =	vadd.f32 v63, v30;
	v44 =	vmul.f32 v48, v57  }
0x118: {  	v56 =	vadd.f32 v50, v24;
	v46 =	vmul.f32 v51, v59;
	v45 =	vld.idx.msk [tilespmem:v58+s3+$0x0], $0xffff;
	v57 =	vor.u32 $0x180, v29  }
0x119: {  	v43 =	vld.idx.msk [tilespmem:v61+s3+$0x0], $0xffff;
	v42 =	vadd.f32 v44, v42  }
0x11a: {  	v58 =	vmul.f32 v47, v18;
	v46 =	vadd.f32 v46, v56  }
0x11b: {  	v59 =	vld.idx.msk [tilespmem:v54+s3+$0x0], $0xffff;
	v60 =	vor.u32 $0x180, v34;
	[tilespmem:s10+$0x100] =	vst v42  }
0x11c: {  	v47 =	vmul.f32 v47, v20;
	v61 =	vor.u32 $0x180, v28;
	[tilespmem:s11+$0x100] =	vst v46;
	v44 =	vadd.f32 v58, v17;
	v40 =	vld.idx.msk [tilespmem:v55+s3+$0x0], $0xffff  }
0x11d: {  	v62 =	vor.u32 $0x200, v22;
	v50 =	vld.idx.msk [tilespmem:v57+s3+$0x0], $0xffff  }
0x11e: {  	v47 =	vadd.f32 v47, v21;
	v63 =	vmul.f32 v45, v15;
	v43 =	vmul.f32 v44, v43;
	_ =	sdelay $0x1  }
0x11f: {  	v52 =	vmul.f32 v45, v13;
	v53 =	vadd.f32 v63, v10;
	v42 =	vld.idx.msk [tilespmem:v60+s3+$0x0], $0xffff;
	v43 =	vadd.f32 v43, v47  }
0x120: {  	v54 =	vor.u32 $0x200, v19;
	v56 =	vor.u32 $0x200, v23;
	v49 =	vld.idx.msk [tilespmem:v61+s3+$0x0], $0xffff;
	v55 =	vmul.f32 v40, v33  }
0x121: {  	v44 =	vadd.f32 v52, v9;
	v45 =	vmul.f32 v53, v59;
	[tilespmem:s9+$0x180] =	vst v43;
	v57 =	vmul.f32 v50, v27  }
0x122: {  	v59 =	vor.u32 $0x200, v16;
	v46 =	vld.idx.msk [tilespmem:v62+s3+$0x0], $0xffff;
	v40 =	vmul.f32 v40, v32;
	v58 =	vadd.f32 v55, v31  }
0x123: {  	v60 =	vor.u32 $0x200, v35;
	v50 =	vmul.f32 v50, v26;
	v51 =	vadd.f32 v57, v25  }
0x124: {  	v44 =	vadd.f32 v45, v44;
	v40 =	vadd.f32 v40, v30;
	v42 =	vmul.f32 v58, v42  }
0x125: {  	v63 =	vor.u32 $0x200, v29;
	v62 =	vadd.f32 v50, v24;
	v49 =	vmul.f32 v51, v49  }
0x126: {  	[tilespmem:s7+$0x180] =	vst v44;
	v43 =	vld.idx.msk [tilespmem:v56+s3+$0x0], $0xffff;
	v40 =	vadd.f32 v42, v40  }
0x127: {  	v61 =	vld.idx.msk [tilespmem:v54+s3+$0x0], $0xffff;
	v54 =	vmul.f32 v46, v18;
	v47 =	vadd.f32 v49, v62  }
0x128: {  	v56 =	vor.u32 $0x200, v34;
	v55 =	vld.idx.msk [tilespmem:v59+s3+$0x0], $0xffff;
	[tilespmem:s10+$0x180] =	vst v40  }
0x129: {  	v57 =	vor.u32 $0x200, v28;
	v46 =	vmul.f32 v46, v20;
	v42 =	vadd.f32 v54, v17;
	[tilespmem:s11+$0x180] =	vst v47;
	v44 =	vld.idx.msk [tilespmem:v60+s3+$0x0], $0xffff  }
0x12a: {  	v39 =	vadd.f32 v41, v39;
	v52 =	vor.u32 $0x280, v19;
	v59 =	vor.u32 $0x280, v22;
	v50 =	vld.idx.msk [tilespmem:v63+s3+$0x0], $0xffff  }
0x12b: {  	v58 =	vmul.f32 v37, v2;
	v46 =	vadd.f32 v46, v21;
	v42 =	vmul.f32 v42, v43  }
0x12c: {  	v51 =	vor.u32 $0x300, v12;
	v60 =	vmul.f32 v61, v15;
	v61 =	vmul.f32 v61, v13  }
0x12d: {  	[tilespmem:s5+$0x280] =	vst v39;
	v45 =	vadd.f32 v58, v3;
	v40 =	vld.idx.msk [tilespmem:v56+s3+$0x0], $0xffff;
	v56 =	vor.u32 $0x280, v23;
	v42 =	vadd.f32 v42, v46  }
0x12e: {  	v54 =	vld.idx.msk [tilespmem:v57+s3+$0x0], $0xffff;
	v62 =	vadd.f32 v60, v10;
	v43 =	vadd.f32 v61, v9;
	v53 =	vmul.f32 v44, v33  }
0x12f: {  	v60 =	vor.u32 $0x280, v16;
	v61 =	vor.u32 $0x280, v35;
	[tilespmem:s9+$0x200] =	vst v42;
	v57 =	vmul.f32 v50, v27  }
0x130: {  	v63 =	vmul.f32 v62, v55;
	v49 =	vld.idx.msk [tilespmem:v59+s3+$0x0], $0xffff;
	v58 =	vmul.f32 v44, v32;
	v59 =	vadd.f32 v53, v31  }
0x131: {  	v38 =	vld.idx.msk [tilespmem:v38+s3+$0x0], $0xffff;
	v55 =	vmul.f32 v37, v4;
	v50 =	vmul.f32 v50, v26;
	v48 =	vadd.f32 v57, v25  }
0x132: {  	v39 =	vadd.f32 v63, v43;
	v43 =	vadd.f32 v58, v30;
	v40 =	vmul.f32 v59, v40  }
0x133: {  	v63 =	vor.u32 $0x280, v29;
	v62 =	vadd.f32 v50, v24;
	v47 =	vmul.f32 v48, v54  }
0x134: {  	v36 =	vmul.f32 v45, v36;
	v42 =	vld.idx.msk [tilespmem:v56+s3+$0x0], $0xffff;
	v56 =	vor.u32 $0x300, v5;
	[tilespmem:s7+$0x200] =	vst v39;
	v40 =	vadd.f32 v40, v43  }
0x135: {  	v37 =	vadd.f32 v55, v0;
	v50 =	vor.u32 $0x300, v11;
	v41 =	vld.idx.msk [tilespmem:v52+s3+$0x0], $0xffff;
	v44 =	vadd.f32 v47, v62  }
0x136: {  	v57 =	vmul.f32 v38, v1;
	v58 =	vor.u32 $0x280, v34;
	v55 =	vmul.f32 v49, v18;
	v46 =	vld.idx.msk [tilespmem:v60+s3+$0x0], $0xffff;
	[tilespmem:s10+$0x200] =	vst v40  }
0x137: {  	v36 =	vadd.f32 v36, v37;
	v49 =	vmul.f32 v49, v20;
	v59 =	vor.u32 $0x280, v28;
	[tilespmem:s11+$0x200] =	vst v44;
	v39 =	vld.idx.msk [tilespmem:v61+s3+$0x0], $0xffff  }
0x138: {  	v60 =	vmul.f32 v38, v7;
	v52 =	vor.u32 $0x300, v29;
	v45 =	vadd.f32 v55, v17;
	v44 =	vld.idx.msk [tilespmem:v63+s3+$0x0], $0xffff  }
0x139: {  	[tilespmem:s23+$0x280] =	vst v36;
	v36 =	vor.u32 $0x300, v23;
	v43 =	vld.idx.msk [tilespmem:v51+s3+$0x0], $0xffff;
	v62 =	vadd.f32 v57, v6;
	v49 =	vadd.f32 v49, v21  }
0x13a: {  	v37 =	vadd.f32 v60, v8;
	v47 =	vld.idx.msk [tilespmem:v56+s3+$0x0], $0xffff;
	v56 =	vor.u32 $0x300, v19;
	v61 =	vmul.f32 v41, v15  }
0x13b: {  	v60 =	vor.u32 $0x300, v35;
	v42 =	vmul.f32 v45, v42;
	v41 =	vmul.f32 v41, v13;
	v40 =	vld.idx.msk [tilespmem:v58+s3+$0x0], $0xffff  }
0x13c: {  	v63 =	vor.u32 $0x300, v22;
	v55 =	vld.idx.msk [tilespmem:v59+s3+$0x0], $0xffff;
	v38 =	vadd.f32 v61, v10;
	v54 =	vmul.f32 v39, v33  }
0x13d: {  	v42 =	vadd.f32 v42, v49;
	v41 =	vadd.f32 v41, v9;
	v57 =	vmul.f32 v44, v27  }
0x13e: {  	v38 =	vmul.f32 v38, v46;
	v39 =	vmul.f32 v39, v32;
	v46 =	vadd.f32 v54, v31  }
0x13f: {  	v58 =	vor.u32 $0x300, v16;
	v61 =	vld.idx.msk [tilespmem:v50+s3+$0x0], $0xffff;
	v44 =	vmul.f32 v44, v26;
	v59 =	vadd.f32 v57, v25  }
0x140: {  	[tilespmem:s9+$0x280] =	vst v42;
	v38 =	vadd.f32 v38, v41;
	v39 =	vadd.f32 v39, v30;
	v40 =	vmul.f32 v46, v40  }
0x141: {  	s12 =	sadd.s32 $0x1, s21;
	v43 =	vmul.f32 v62, v43;
	v45 =	vld.idx.msk [tilespmem:v63+s3+$0x0], $0xffff;
	v63 =	vadd.f32 v44, v24;
	v62 =	vmul.f32 v59, v55  }
0x142: {  	v14 =	vor.u32 $0x380, v14;
	s15 =	sand.u32 $0x3, s12;
	v12 =	vor.u32 $0x380, v12;
	v36 =	vld.idx.msk [tilespmem:v36+s3+$0x0], $0xffff;
	[tilespmem:s7+$0x280] =	vst v38;
	v39 =	vadd.f32 v40, v39  }
0x143: {  	s5 =	sshll.u32 s15, $0x5;
	v5 =	vor.u32 $0x380, v5;
	v53 =	vmul.f32 v47, v2;
	v49 =	vld.idx.msk [tilespmem:v56+s3+$0x0], $0xffff;
	v38 =	vadd.f32 v62, v63  }
0x144: {  	s5 =	sadd.s32 s5, s22;
	v11 =	vor.u32 $0x380, v11;
	v37 =	vadd.f32 v43, v37;
	v57 =	vor.u32 $0x300, v34;
	v42 =	vld.idx.msk [tilespmem:v58+s3+$0x0], $0xffff;
	[tilespmem:s10+$0x280] =	vst v39  }
0x145: {  	v54 =	vmul.f32 v47, v4;
	s7 =	sadd.s32 $0x10, s5;
	v55 =	vadd.f32 v53, v3;
	v59 =	vor.u32 $0x300, v28;
	[tilespmem:s11+$0x280] =	vst v38;
	v58 =	vld.idx.msk [tilespmem:v60+s3+$0x0], $0xffff  }
0x146: {  	v29 =	vor.u32 $0x380, v29;
	v23 =	vor.u32 $0x380, v23;
	s18 =	sor.u32 $0x300, s7;
	v56 =	vmul.f32 v45, v18;
	v44 =	vld.idx.msk [tilespmem:v52+s3+$0x0], $0xffff  }
0x147: {  	v19 =	vor.u32 $0x380, v19;
	[tilespmem:s18+$0x8000] =	vst v37;
	v40 =	vadd.f32 v54, v0;
	v60 =	vmul.f32 v55, v61  }
0x148: {  	v22 =	vor.u32 $0x380, v22;
	v14 =	vld.idx.msk [tilespmem:v14+s3+$0x0], $0xffff;
	v43 =	vadd.f32 v56, v17;
	v61 =	vmul.f32 v45, v20  }
0x149: {  	s19 =	sadd.s32 $0x1, s12;
	v62 =	vmul.f32 v49, v15;
	v45 =	vmul.f32 v49, v13;
	v39 =	vld.idx.msk [tilespmem:v57+s3+$0x0], $0xffff;
	v38 =	vadd.f32 v60, v40  }
0x14a: {  	s22 =	sand.u32 $0x3, s19;
	s21 =	sor.u32 $0x300, s5;
	v36 =	vmul.f32 v43, v36;
	v49 =	vld.idx.msk [tilespmem:v59+s3+$0x0], $0xffff;
	v63 =	vadd.f32 v61, v21;
	v46 =	vmul.f32 v58, v33  }
0x14b: {  	s23 =	sshll.u32 s22, $0x5;
	v37 =	vadd.f32 v62, v10;
	v50 =	vadd.f32 v45, v9;
	[tilespmem:s21+$0x8000] =	vst v38;
	v51 =	vmul.f32 v44, v27  }
0x14c: {  	s24 =	sadd.s32 $0x1, s19;
	s1 =	sadd.s32 s23, s6;
	v36 =	vadd.f32 v36, v63;
	v5 =	vld.idx.msk [tilespmem:v5+s3+$0x0], $0xffff;
	v52 =	vmul.f32 v58, v32;
	v40 =	vadd.f32 v46, v31  }
0x14d: {  	s6 =	sand.u32 $0x3, s24;
	s30 =	sadd.s32 $0x10, s1;
	v12 =	vld.idx.msk [tilespmem:v12+s3+$0x0], $0xffff;
	v37 =	vmul.f32 v37, v42;
	v53 =	vmul.f32 v44, v26;
	v41 =	vadd.f32 v51, v25  }
0x14e: {  	v35 =	vor.u32 $0x380, v35;
	s6 =	sshll.u32 s6, $0x5;
	s10 =	sor.u32 $0x300, s30;
	v11 =	vld.idx.msk [tilespmem:v11+s3+$0x0], $0xffff;
	v42 =	vadd.f32 v52, v30;
	v39 =	vmul.f32 v40, v39  }
0x14f: {  	s4 =	sadd.s32 s6, s4;
	v37 =	vadd.f32 v37, v50;
	[tilespmem:s10+$0x8000] =	vst v36;
	v54 =	vadd.f32 v53, v24;
	v55 =	vmul.f32 v41, v49  }
0x150: {  	s12 =	sadd.s32 $0x10, s4;
	s11 =	sor.u32 $0x300, s1;
	v1 =	vmul.f32 v14, v1;
	v22 =	vld.idx.msk [tilespmem:v22+s3+$0x0], $0xffff;
	v39 =	vadd.f32 v39, v42  }
0x151: {  	v16 =	vor.u32 $0x380, v16;
	s15 =	sor.u32 $0x300, s12;
	v23 =	vld.idx.msk [tilespmem:v23+s3+$0x0], $0xffff;
	[tilespmem:s11+$0x8000] =	vst v37;
	v2 =	vmul.f32 v5, v2;
	v36 =	vadd.f32 v55, v54  }
0x152: {  	s18 =	sor.u32 $0x300, s4;
	v7 =	vmul.f32 v14, v7;
	v14 =	vor.u32 $0x380, v34;
	v1 =	vadd.f32 v1, v6;
	v6 =	vld.idx.msk [tilespmem:v19+s3+$0x0], $0xffff;
	[tilespmem:s15+$0x8000] =	vst v39  }
0x153: {  	v4 =	vmul.f32 v5, v4;
	v5 =	vor.u32 $0x380, v28;
	v2 =	vadd.f32 v2, v3;
	[tilespmem:s18+$0x8000] =	vst v36;
	v3 =	vld.idx.msk [tilespmem:v35+s3+$0x0], $0xffff  }
0x154: {  	v7 =	vadd.f32 v7, v8;
	v1 =	vmul.f32 v1, v12;
	v8 =	vld.idx.msk [tilespmem:v29+s3+$0x0], $0xffff  }
0x155: {  	v0 =	vadd.f32 v4, v0;
	v4 =	vmul.f32 v22, v18;
	v2 =	vmul.f32 v2, v11  }
0x156: {  	v1 =	vadd.f32 v1, v7;
	v7 =	vmul.f32 v22, v20;
	v11 =	vld.idx.msk [tilespmem:v16+s3+$0x0], $0xffff  }
0x157: {  	v12 =	vld.idx.msk [tilespmem:v14+s3+$0x0], $0xffff;
	v0 =	vadd.f32 v2, v0;
	v2 =	vadd.f32 v4, v17;
	v4 =	vmul.f32 v6, v15  }
0x158: {  	v7 =	vadd.f32 v7, v21;
	v5 =	vld.idx.msk [tilespmem:v5+s3+$0x0], $0xffff;
	v6 =	vmul.f32 v6, v13;
	v13 =	vmul.f32 v3, v33  }
0x159: {  	v2 =	vmul.f32 v2, v23;
	v4 =	vadd.f32 v4, v10;
	v10 =	vmul.f32 v8, v27  }
0x15a: {  	v6 =	vadd.f32 v6, v9;
	v3 =	vmul.f32 v3, v32;
	v9 =	vadd.f32 v13, v31  }
0x15b: {  	s19 =	sor.u32 $0x380, s7;
	v8 =	vmul.f32 v8, v26;
	v4 =	vmul.f32 v4, v11;
	v10 =	vadd.f32 v10, v25  }
0x15c: {  	s5 =	sor.u32 $0x380, s5;
	[tilespmem:s19+$0x8000] =	vst v1;
	v1 =	vadd.f32 v2, v7;
	v2 =	vadd.f32 v3, v30;
	v3 =	vmul.f32 v9, v12  }
0x15d: {  	s2 =	sor.u32 $0x380, s30;
	[tilespmem:s5+$0x8000] =	vst v0;
	v0 =	vadd.f32 v4, v6;
	v4 =	vadd.f32 v8, v24;
	v5 =	vmul.f32 v10, v5  }
0x15e: {  	s1 =	sor.u32 $0x380, s1;
	[tilespmem:s2+$0x8000] =	vst v1;
	v1 =	vadd.f32 v3, v2  }
0x15f: {  	s21 =	sor.u32 $0x380, s12;
	[tilespmem:s1+$0x8000] =	vst v0;
	v0 =	vadd.f32 v5, v4  }
0x160: {  	s23 =	sshll.u32 s16, $0xC;
	s22 =	sor.u32 $0x380, s4;
	[tilespmem:s21+$0x8000] =	vst v1  }
0x161: {  	p0 =	seq.s32 s16, $0x7;
	s24 =	simm.s32 $0x8000;
	s1 =	sadd.s32 s23, s13;
	[tilespmem:s22+$0x8000] =	vst v0  }
0x162: {  	[hbm4b:s1+s3] =	stream.linear.scatter [tilespmem:s24], [sflag:$0x3], $0x4000, $0x38;
	[tilespmem:$0x13000] =	vst v63  }
0x163: {  	s1 =	sadd.s32 @!p0 s20, s14;
	_ =	swait.ge [sflag:s29], $0x4000  }
0x164: {  	p1 =	seq.s32 @!p0 s16, $0x0;
	s1 =	sshll.u32 @!p0 s1, $0x8;
	[sflag:s29] =	ssyncset.done $0x0  }
0x165: {  	s2 =	simm.s32 @!p0 $0x0;
	s1 =	sadd.s32 @!p0 s0, s1;
	[sflag:s29] =	ssyncadd.s32 $0xFFFFC000  }
0x166: {  	[tilespmem:s2], [sflag:$0x1] =	stream.linear.gather @!p0 [hbm4b:s1+s2], $0x4000, $0x38;
	[tilespmem:$0x13000] =	vst v63  }
0x167: {  	p0 =	por p0, !p1  }
0x168: {  	s31 =	smov.u32 s0;
	s0 =	simm.s32 @p0 $0x4  }
0x169: {  	s20 =	simm.s32 $0x0;
	_ =	swait.ge @p0 [sflag:s0], $0x4000  }
0x16a: {  	s30 =	sand.u32 $0x60, s20;
	[sflag:s0] =	ssyncset.done @p0 $0x0  }
0x16b: {  	s5 =	sand.u32 $0x780, s20;
	[sflag:s0] =	ssyncadd.s32 @p0 $0xFFFFC000;
	s0 =	sor.u32 $0x10, s30  }
0x16c: {  	s4 =	sor.u32 s5, s0  }
0x16d: {  	v0 =	vld [tilespmem:s4+$0x10800];
	_ =	sdelay $0x3  }
0x16e: {  	v1 =	vld [tilespmem:s4+$0x10000]  }
0x16f: {  	v2 =	vshll.u32 v0, $0x3  }
0x170: {  	v0 =	vand.u32 $0x7F, v0;
	v2 =	vand.u32 $0xFFFFFC00, v2  }
0x171: {  	v35 =	vor.u32 v0, v2  }
0x172: {  	s6 =	simm.s32 $0x10800  }
0x173: {  	s7 =	simm.s32 $0x10000;
	v0 =	vshll.u32 v1, $0x3;
	v2 =	vld [tilespmem:s6+$0x0]  }
0x174: {  	v3 =	vld [tilespmem:s7+$0x0];
	v1 =	vand.u32 $0x7F, v1;
	v0 =	vand.u32 $0xFFFFFC00, v0  }
0x175: {  	v27 =	vld [tilespmem:s4+$0x12800];
	v34 =	vor.u32 v1, v0  }
0x176: {  	v0 =	vld.idx.msk [tilespmem:v35+s26+$0x0], $0xffff  }
0x177: {  	v25 =	vld [tilespmem:s4+$0x11800]  }
0x178: {  	v26 =	vld [tilespmem:s4+$0x12000];
	v1 =	vshll.u32 v2, $0x3  }
0x179: {  	v24 =	vld [tilespmem:s4+$0x11000];
	v2 =	vand.u32 $0x7F, v2;
	v1 =	vand.u32 $0xFFFFFC00, v1  }
0x17a: {  	v4 =	vld.idx.msk [tilespmem:v34+s26+$0x0], $0xffff;
	v32 =	vor.u32 v2, v1  }
0x17b: {  	v1 =	vmul.f32 v0, v27  }
0x17c: {  	v2 =	vand.u32 $0x7F, v3;
	v3 =	vshll.u32 v3, $0x3  }
0x17d: {  	s9 =	simm.s32 $0x12800;
	v3 =	vand.u32 $0xFFFFFC00, v3;
	v0 =	vmul.f32 v0, v26;
	v1 =	vadd.f32 v1, v25  }
0x17e: {  	v30 =	vld [tilespmem:s9+$0x0];
	v33 =	vor.u32 v2, v3  }
0x17f: {  	s10 =	simm.s32 $0x11800;
	v3 =	vor.u32 $0x80, v35;
	v2 =	vld.idx.msk [tilespmem:v32+s26+$0x0], $0xffff;
	v0 =	vadd.f32 v0, v24;
	v1 =	vmul.f32 v1, v4  }
0x180: {  	s11 =	simm.s32 $0x12000;
	s12 =	sand.u32 $0x3C00, s20;
	v28 =	vld [tilespmem:s10+$0x0]  }
0x181: {  	s15 =	simm.s32 $0x11000;
	s18 =	sor.u32 $0xC000, s12;
	v31 =	vld [tilespmem:s11+$0x0];
	v0 =	vadd.f32 v1, v0  }
0x182: {  	v29 =	vld [tilespmem:s15+$0x0];
	s4 =	sor.u32 s0, s18  }
0x183: {  	v1 =	vld.idx.msk [tilespmem:v33+s26+$0x0], $0xffff;
	[tilespmem:s4+$0x0] =	vst v0;
	v0 =	vor.u32 $0x80, v34  }
0x184: {  	v4 =	vmul.f32 v2, v30;
	v3 =	vld.idx.msk [tilespmem:v3+s26+$0x0], $0xffff;
	_ =	sdelay $0x1  }
0x185: {  	v2 =	vmul.f32 v2, v31;
	v4 =	vadd.f32 v4, v28;
	_ =	sdelay $0x1  }
0x186: {  	v5 =	vor.u32 $0x80, v32;
	v2 =	vadd.f32 v2, v29;
	v1 =	vmul.f32 v4, v1;
	v0 =	vld.idx.msk [tilespmem:v0+s26+$0x0], $0xffff  }
0x187: {  	v4 =	vmul.f32 v3, v27  }
0x188: {  	v1 =	vadd.f32 v1, v2  }
0x189: {  	s2 =	sor.u32 s30, s18;
	v2 =	vmul.f32 v3, v26;
	v3 =	vadd.f32 v4, v25  }
0x18a: {  	[tilespmem:s2+$0x0] =	vst v1;
	v4 =	vor.u32 $0x80, v33  }
0x18b: {  	v1 =	vld.idx.msk [tilespmem:v5+s26+$0x0], $0xffff;
	v5 =	vor.u32 $0x100, v35;
	v2 =	vadd.f32 v2, v24;
	v0 =	vmul.f32 v3, v0;
	_ =	sdelay $0x1  }
0x18c: {  	s19 =	simm.s32 $0x10820;
	v0 =	vadd.f32 v0, v2  }
0x18d: {  	v2 =	vld [tilespmem:s19+$0x0]  }
0x18e: {  	s21 =	simm.s32 $0x20;
	v3 =	vld.idx.msk [tilespmem:v4+s26+$0x0], $0xffff;
	[tilespmem:s4+$0x80] =	vst v0;
	v0 =	vor.u32 $0x100, v34  }
0x18f: {  	s22 =	sand.u32 $0x60, s21;
	v4 =	vmul.f32 v1, v30;
	v6 =	vld.idx.msk [tilespmem:v5+s26+$0x0], $0xffff  }
0x190: {  	s23 =	sor.u32 $0x10, s22;
	s1 =	sand.u32 $0x780, s21  }
0x191: {  	s1 =	sor.u32 s1, s23;
	v1 =	vmul.f32 v1, v31;
	v4 =	vadd.f32 v4, v28  }
0x192: {  	v7 =	vld [tilespmem:s1+$0x10800]  }
0x193: {  	s24 =	simm.s32 $0x10020;
	v8 =	vor.u32 $0x100, v32;
	v1 =	vadd.f32 v1, v29;
	v3 =	vmul.f32 v4, v3;
	v9 =	vld.idx.msk [tilespmem:v0+s26+$0x0], $0xffff  }
0x194: {  	s30 =	simm.s32 $0x11020;
	v10 =	vld [tilespmem:s24+$0x0];
	v12 =	vor.u32 $0x100, v33;
	v4 =	vshll.u32 v2, $0x3;
	v11 =	vmul.f32 v6, v27  }
0x195: {  	s0 =	simm.s32 $0x12020;
	v2 =	vand.u32 $0x7F, v2;
	v4 =	vand.u32 $0xFFFFFC00, v4;
	v0 =	vld [tilespmem:s30+$0x0];
	v1 =	vadd.f32 v3, v1  }
0x196: {  	v5 =	vor.u32 v2, v4;
	v4 =	vld [tilespmem:s0+$0x0];
	v3 =	vmul.f32 v6, v26;
	v6 =	vadd.f32 v11, v25  }
0x197: {  	v13 =	vor.u32 $0x180, v35;
	v2 =	vshll.u32 v7, $0x3;
	[tilespmem:s2+$0x80] =	vst v1;
	v11 =	vld [tilespmem:s1+$0x10000];
	v1 =	vand.u32 $0x7F, v7  }
0x198: {  	s9 =	simm.s32 $0x12820;
	v7 =	vand.u32 $0xFFFFFC00, v2;
	v3 =	vadd.f32 v3, v24;
	v8 =	vld.idx.msk [tilespmem:v8+s26+$0x0], $0xffff;
	v6 =	vmul.f32 v6, v9  }
0x199: {  	v2 =	vld [tilespmem:s9+$0x0];
	v14 =	vor.u32 v1, v7  }
0x19a: {  	v1 =	vld [tilespmem:s1+$0x12800];
	v3 =	vadd.f32 v6, v3  }
0x19b: {  	v9 =	vld.idx.msk [tilespmem:v12+s26+$0x0], $0xffff  }
0x19c: {  	v15 =	vld.idx.msk [tilespmem:v5+s26+$0x0], $0xffff;
	v6 =	vshll.u32 v11, $0x3;
	[tilespmem:s4+$0x100] =	vst v3;
	v3 =	vor.u32 $0x180, v34  }
0x19d: {  	v11 =	vand.u32 $0x7F, v11;
	v7 =	vmul.f32 v8, v30;
	v6 =	vand.u32 $0xFFFFFC00, v6;
	v13 =	vld.idx.msk [tilespmem:v13+s26+$0x0], $0xffff  }
0x19e: {  	v16 =	vand.u32 $0x7F, v10;
	v10 =	vshll.u32 v10, $0x3;
	v17 =	vld.idx.msk [tilespmem:v14+s26+$0x0], $0xffff;
	v12 =	vor.u32 v11, v6  }
0x19f: {  	v10 =	vand.u32 $0xFFFFFC00, v10;
	v8 =	vmul.f32 v8, v31;
	v6 =	vld [tilespmem:s1+$0x11800];
	v18 =	vadd.f32 v7, v28  }
0x1a0: {  	v11 =	vor.u32 v16, v10;
	v7 =	vld [tilespmem:s1+$0x12000]  }
0x1a1: {  	v16 =	vor.u32 $0x180, v32;
	v10 =	vadd.f32 v8, v29;
	v9 =	vmul.f32 v18, v9;
	v18 =	vld.idx.msk [tilespmem:v3+s26+$0x0], $0xffff  }
0x1a2: {  	v8 =	vld [tilespmem:s1+$0x11000];
	v19 =	vmul.f32 v13, v27  }
0x1a3: {  	s10 =	simm.s32 $0x11820;
	v9 =	vadd.f32 v9, v10;
	v10 =	vld.idx.msk [tilespmem:v12+s26+$0x0], $0xffff  }
0x1a4: {  	v20 =	vmul.f32 v17, v1;
	v3 =	vld [tilespmem:s10+$0x0];
	v19 =	vadd.f32 v19, v25  }
0x1a5: {  	v22 =	vor.u32 $0x180, v33;
	v13 =	vmul.f32 v13, v26;
	v21 =	vld.idx.msk [tilespmem:v11+s26+$0x0], $0xffff;
	[tilespmem:s2+$0x100] =	vst v9;
	v9 =	vmul.f32 v17, v7  }
0x1a6: {  	v17 =	vadd.f32 v20, v6;
	v20 =	vor.u32 $0x200, v35;
	v16 =	vld.idx.msk [tilespmem:v16+s26+$0x0], $0xffff;
	v18 =	vmul.f32 v19, v18  }
0x1a7: {  	v13 =	vadd.f32 v13, v24;
	v19 =	vmul.f32 v15, v4;
	v15 =	vmul.f32 v15, v2  }
0x1a8: {  	s21 =	simm.s32 $0x100;
	v9 =	vadd.f32 v9, v8;
	v10 =	vmul.f32 v17, v10;
	v17 =	vor.u32 $0x80, v14  }
0x1a9: {  	s11 =	sand.u32 $0x3C00, s21;
	v13 =	vadd.f32 v18, v13;
	v15 =	vadd.f32 v15, v3  }
0x1aa: {  	s1 =	sor.u32 $0xC000, s11;
	v18 =	vadd.f32 v19, v0;
	v19 =	vld.idx.msk [tilespmem:v22+s26+$0x0], $0xffff;
	v9 =	vadd.f32 v10, v9  }
0x1ab: {  	s24 =	simm.s32 $0x40;
	s5 =	sor.u32 s23, s1;
	v10 =	vor.u32 $0x200, v34;
	[tilespmem:s4+$0x180] =	vst v13;
	v15 =	vmul.f32 v15, v21;
	v21 =	vmul.f32 v16, v30  }
0x1ac: {  	s30 =	sand.u32 $0x60, s24;
	v13 =	vor.u32 $0x80, v5;
	v16 =	vmul.f32 v16, v31;
	v20 =	vld.idx.msk [tilespmem:v20+s26+$0x0], $0xffff;
	[tilespmem:s5+$0x0] =	vst v9  }
0x1ad: {  	s0 =	sor.u32 $0x10, s30;
	s10 =	sand.u32 $0x780, s24;
	v9 =	vor.u32 $0x80, v12;
	v15 =	vadd.f32 v15, v18;
	v18 =	vadd.f32 v21, v28;
	v17 =	vld.idx.msk [tilespmem:v17+s26+$0x0], $0xffff  }
0x1ae: {  	s22 =	sor.u32 s22, s1;
	s1 =	sor.u32 s10, s0  }
0x1af: {  	v45 =	vld [tilespmem:s1+$0x10800];
	v16 =	vadd.f32 v16, v29;
	[tilespmem:s22+$0x0] =	vst v15;
	v15 =	vmul.f32 v18, v19;
	v18 =	vor.u32 $0x200, v32  }
0x1b0: {  	v21 =	vor.u32 $0x80, v11;
	v10 =	vld.idx.msk [tilespmem:v10+s26+$0x0], $0xffff  }
0x1b1: {  	v13 =	vld.idx.msk [tilespmem:v13+s26+$0x0], $0xffff;
	v19 =	vmul.f32 v20, v27;
	v15 =	vadd.f32 v15, v16  }
0x1b2: {  	v51 =	vor.u32 $0x300, v35;
	v9 =	vld.idx.msk [tilespmem:v9+s26+$0x0], $0xffff;
	v23 =	vmul.f32 v17, v1  }
0x1b3: {  	v52 =	vld [tilespmem:s1+$0x10000];
	v16 =	vor.u32 $0x200, v33;
	v19 =	vadd.f32 v19, v25;
	[tilespmem:s2+$0x180] =	vst v15;
	v15 =	vmul.f32 v20, v26  }
0x1b4: {  	v46 =	vor.u32 $0x280, v32;
	v17 =	vmul.f32 v17, v7;
	v18 =	vld.idx.msk [tilespmem:v18+s26+$0x0], $0xffff;
	v20 =	vadd.f32 v23, v6  }
0x1b5: {  	s12 =	simm.s32 $0x10040;
	v21 =	vld.idx.msk [tilespmem:v21+s26+$0x0], $0xffff;
	v23 =	vor.u32 $0x280, v35;
	v10 =	vmul.f32 v19, v10;
	v15 =	vadd.f32 v15, v24  }
0x1b6: {  	s15 =	simm.s32 $0x10840;
	v57 =	vor.u32 $0x100, v14;
	v22 =	vld [tilespmem:s12+$0x0];
	v56 =	vmul.f32 v13, v4;
	v13 =	vmul.f32 v13, v2  }
0x1b7: {  	v17 =	vadd.f32 v17, v8;
	v19 =	vld [tilespmem:s15+$0x0];
	v20 =	vmul.f32 v20, v9;
	v15 =	vadd.f32 v10, v15  }
0x1b8: {  	s18 =	simm.s32 $0x11040;
	v47 =	vor.u32 $0x280, v33;
	v43 =	vor.u32 $0x180, v5;
	v16 =	vld.idx.msk [tilespmem:v16+s26+$0x0], $0xffff;
	v58 =	vadd.f32 v13, v3  }
0x1b9: {  	v9 =	vld [tilespmem:s18+$0x0];
	v17 =	vadd.f32 v20, v17;
	v20 =	vor.u32 $0x280, v34;
	v59 =	vmul.f32 v18, v30;
	[tilespmem:s4+$0x200] =	vst v15  }
0x1ba: {  	s19 =	simm.s32 $0x11840;
	v36 =	vadd.f32 v56, v0;
	v15 =	vmul.f32 v58, v21;
	v21 =	vor.u32 $0x100, v5;
	v23 =	vld.idx.msk [tilespmem:v23+s26+$0x0], $0xffff  }
0x1bb: {  	v10 =	vld [tilespmem:s19+$0x0];
	v18 =	vmul.f32 v18, v31;
	[tilespmem:s5+$0x80] =	vst v17;
	v17 =	vor.u32 $0x100, v12;
	v39 =	vadd.f32 v59, v28  }
0x1bc: {  	v60 =	vor.u32 $0x100, v11;
	s23 =	simm.s32 $0x12040;
	v62 =	vand.u32 $0x7F, v22;
	v15 =	vadd.f32 v15, v36;
	v61 =	vld.idx.msk [tilespmem:v57+s26+$0x0], $0xffff  }
0x1bd: {  	v22 =	vshll.u32 v22, $0x3;
	v13 =	vld [tilespmem:s23+$0x0];
	v18 =	vadd.f32 v18, v29;
	v16 =	vmul.f32 v39, v16  }
0x1be: {  	v63 =	vand.u32 $0x7F, v19;
	[tilespmem:s22+$0x80] =	vst v15;
	v20 =	vld.idx.msk [tilespmem:v20+s26+$0x0], $0xffff;
	v15 =	vshll.u32 v19, $0x3;
	v19 =	vand.u32 $0xFFFFFC00, v22  }
0x1bf: {  	v21 =	vld.idx.msk [tilespmem:v21+s26+$0x0], $0xffff;
	v15 =	vand.u32 $0xFFFFFC00, v15;
	v18 =	vadd.f32 v16, v18;
	v22 =	vmul.f32 v23, v27  }
0x1c0: {  	v17 =	vld.idx.msk [tilespmem:v17+s26+$0x0], $0xffff;
	v16 =	vor.u32 v62, v19;
	v19 =	vor.u32 v63, v15;
	v23 =	vmul.f32 v23, v26  }
0x1c1: {  	s11 =	simm.s32 $0x12840;
	v50 =	vshll.u32 v45, $0x3;
	v48 =	vld.idx.msk [tilespmem:v60+s26+$0x0], $0xffff;
	[tilespmem:s2+$0x200] =	vst v18;
	v18 =	vmul.f32 v61, v1;
	v22 =	vadd.f32 v22, v25  }
0x1c2: {  	v39 =	vand.u32 $0xFFFFFC00, v50;
	v15 =	vld [tilespmem:s11+$0x0];
	v36 =	vmul.f32 v61, v7;
	v23 =	vadd.f32 v23, v24  }
0x1c3: {  	v49 =	vld.idx.msk [tilespmem:v46+s26+$0x0], $0xffff;
	v18 =	vadd.f32 v18, v6;
	v20 =	vmul.f32 v22, v20;
	v22 =	vand.u32 $0x7F, v45  }
0x1c4: {  	v53 =	vor.u32 $0x180, v14;
	v56 =	vshll.u32 v52, $0x3;
	v42 =	vld.idx.msk [tilespmem:v47+s26+$0x0], $0xffff;
	v22 =	vor.u32 v22, v39  }
0x1c5: {  	v36 =	vadd.f32 v36, v8;
	v54 =	vld.idx.msk [tilespmem:v19+s26+$0x0], $0xffff;
	v18 =	vmul.f32 v18, v17;
	v20 =	vadd.f32 v20, v23  }
0x1c6: {  	v35 =	vor.u32 $0x380, v35;
	v58 =	vand.u32 $0xFFFFFC00, v56;
	v23 =	vmul.f32 v21, v4;
	v17 =	vld [tilespmem:s1+$0x11800]  }
0x1c7: {  	v59 =	vor.u32 $0x180, v12;
	v21 =	vmul.f32 v21, v2;
	v36 =	vadd.f32 v18, v36;
	[tilespmem:s4+$0x280] =	vst v20;
	v18 =	vld [tilespmem:s1+$0x12800]  }
0x1c8: {  	v20 =	vor.u32 $0x300, v34;
	v57 =	vadd.f32 v23, v0;
	v23 =	vand.u32 $0x7F, v52;
	v40 =	vld.idx.msk [tilespmem:v51+s26+$0x0], $0xffff  }
0x1c9: {  	v55 =	vmul.f32 v49, v30;
	v21 =	vadd.f32 v21, v3;
	v23 =	vor.u32 v23, v58;
	v41 =	vld.idx.msk [tilespmem:v22+s26+$0x0], $0xffff  }
0x1ca: {  	v63 =	vor.u32 $0x180, v11;
	[tilespmem:s5+$0x100] =	vst v36;
	v60 =	vmul.f32 v54, v13;
	v62 =	vmul.f32 v54, v15;
	v54 =	vld.idx.msk [tilespmem:v16+s26+$0x0], $0xffff  }
0x1cb: {  	v38 =	vmul.f32 v49, v31;
	v21 =	vmul.f32 v21, v48;
	v39 =	vadd.f32 v55, v28;
	v37 =	vld.idx.msk [tilespmem:v53+s26+$0x0], $0xffff  }
0x1cc: {  	v56 =	vor.u32 $0x80, v16;
	v46 =	vor.u32 $0x300, v33;
	v33 =	vor.u32 $0x380, v33;
	v36 =	vld.idx.msk [tilespmem:v59+s26+$0x0], $0xffff  }
0x1cd: {  	v38 =	vadd.f32 v38, v29;
	v47 =	vadd.f32 v21, v57;
	v21 =	vmul.f32 v39, v42;
	v61 =	vld.idx.msk [tilespmem:v20+s26+$0x0], $0xffff  }
0x1ce: {  	v48 =	vadd.f32 v60, v9;
	v57 =	vor.u32 $0x300, v32;
	v42 =	vadd.f32 v62, v10;
	v20 =	vld [tilespmem:s1+$0x12000]  }
0x1cf: {  	v62 =	vor.u32 $0x200, v14;
	v58 =	vmul.f32 v40, v27;
	v59 =	vld.idx.msk [tilespmem:v23+s26+$0x0], $0xffff;
	v40 =	vmul.f32 v40, v26  }
0x1d0: {  	v38 =	vadd.f32 v21, v38;
	v21 =	vld [tilespmem:s1+$0x11000];
	[tilespmem:s22+$0x100] =	vst v47;
	v60 =	vmul.f32 v41, v18;
	v53 =	vmul.f32 v37, v1  }
0x1d1: {  	v43 =	vld.idx.msk [tilespmem:v43+s26+$0x0], $0xffff;
	v42 =	vmul.f32 v42, v54;
	v50 =	vadd.f32 v58, v25;
	v37 =	vmul.f32 v37, v7  }
0x1d2: {  	s6 =	simm.s32 $0x200;
	s15 =	sand.u32 $0x3, s20;
	v40 =	vadd.f32 v40, v24;
	[tilespmem:s2+$0x280] =	vst v38;
	v38 =	vld.idx.msk [tilespmem:v63+s26+$0x0], $0xffff;
	v63 =	vor.u32 $0x80, v22;
	v53 =	vadd.f32 v53, v6  }
0x1d3: {  	s12 =	simm.s32 $0x10060;
	s23 =	sand.u32 $0x3C00, s6;
	s1 =	sshll.u32 s15, $0x5;
	v49 =	vld.idx.msk [tilespmem:v57+s26+$0x0], $0xffff;
	v39 =	vmul.f32 v50, v61;
	v41 =	vmul.f32 v41, v20;
	v61 =	vadd.f32 v60, v17  }
0x1d4: {  	s10 =	simm.s32 $0x10860;
	v44 =	vld [tilespmem:s12+$0x0];
	s24 =	sor.u32 $0xC000, s23;
	s4 =	sadd.s32 $0x0, s1;
	v42 =	vadd.f32 v42, v48;
	v37 =	vadd.f32 v37, v8;
	v36 =	vmul.f32 v53, v36  }
0x1d5: {  	s7 =	sor.u32 s30, s24;
	s19 =	sadd.s32 $0x10, s4;
	v50 =	vld [tilespmem:s10+$0x0];
	v39 =	vadd.f32 v39, v40;
	v41 =	vadd.f32 v41, v21;
	v45 =	vmul.f32 v61, v59  }
0x1d6: {  	v34 =	vor.u32 $0x380, v34;
	v51 =	vor.u32 $0x80, v19;
	s18 =	sor.u32 $0x300, s19;
	[tilespmem:s7+$0x0] =	vst v42;
	v40 =	vld.idx.msk [tilespmem:v46+s26+$0x0], $0xffff;
	v36 =	vadd.f32 v36, v37  }
0x1d7: {  	v55 =	vor.u32 $0x200, v12;
	v54 =	vmul.f32 v43, v2;
	[tilespmem:s18+$0xC000] =	vst v39;
	v52 =	vadd.f32 v45, v41;
	v45 =	vld.idx.msk [tilespmem:v56+s26+$0x0], $0xffff  }
0x1d8: {  	s9 =	sor.u32 s0, s24;
	v32 =	vor.u32 $0x380, v32;
	v61 =	vmul.f32 v49, v31;
	v49 =	vmul.f32 v49, v30;
	v35 =	vld.idx.msk [tilespmem:v35+s26+$0x0], $0xffff;
	[tilespmem:s5+$0x180] =	vst v36  }
0x1d9: {  	v60 =	vor.u32 $0x80, v23;
	v53 =	vmul.f32 v43, v4;
	v58 =	vadd.f32 v54, v3;
	[tilespmem:s9+$0x0] =	vst v52;
	v59 =	vld.idx.msk [tilespmem:v62+s26+$0x0], $0xffff  }
0x1da: {  	v42 =	vshll.u32 v44, $0x3;
	v43 =	vand.u32 $0x7F, v44;
	v49 =	vadd.f32 v49, v28;
	v46 =	vld.idx.msk [tilespmem:v63+s26+$0x0], $0xffff  }
0x1db: {  	v57 =	vadd.f32 v53, v0;
	v34 =	vld.idx.msk [tilespmem:v34+s26+$0x0], $0xffff;
	v38 =	vmul.f32 v58, v38;
	v63 =	vor.u32 $0x200, v5  }
0x1dc: {  	v54 =	vor.u32 $0x200, v11;
	v48 =	vadd.f32 v61, v29;
	v62 =	vld.idx.msk [tilespmem:v51+s26+$0x0], $0xffff;
	v40 =	vmul.f32 v49, v40  }
0x1dd: {  	v44 =	vand.u32 $0x7F, v50;
	v36 =	vld.idx.msk [tilespmem:v55+s26+$0x0], $0xffff;
	v37 =	vadd.f32 v38, v57;
	v27 =	vmul.f32 v35, v27  }
0x1de: {  	v47 =	vld.idx.msk [tilespmem:v60+s26+$0x0], $0xffff;
	v26 =	vmul.f32 v35, v26;
	v57 =	vadd.f32 v40, v48;
	v55 =	vmul.f32 v59, v1  }
0x1df: {  	s30 =	sor.u32 $0x300, s4;
	[tilespmem:s22+$0x180] =	vst v37;
	v25 =	vadd.f32 v27, v25;
	v27 =	vmul.f32 v46, v18;
	v56 =	vmul.f32 v59, v7  }
0x1e0: {  	v60 =	vor.u32 $0x280, v14;
	v58 =	vld.idx.msk [tilespmem:v63+s26+$0x0], $0xffff;
	v24 =	vadd.f32 v26, v24;
	v26 =	vmul.f32 v46, v20;
	[tilespmem:s30+$0xC000] =	vst v57  }
0x1e1: {  	v61 =	vmul.f32 v62, v13;
	v39 =	vmul.f32 v62, v15;
	v32 =	vld.idx.msk [tilespmem:v32+s26+$0x0], $0xffff;
	v59 =	vadd.f32 v55, v6  }
0x1e2: {  	v62 =	vor.u32 $0x100, v22;
	v33 =	vld.idx.msk [tilespmem:v33+s26+$0x0], $0xffff;
	v25 =	vmul.f32 v25, v34;
	v27 =	vadd.f32 v27, v17  }
0x1e3: {  	s15 =	simm.s32 $0x12060;
	v34 =	vld.idx.msk [tilespmem:v54+s26+$0x0], $0xffff;
	v35 =	vadd.f32 v56, v8;
	v63 =	vadd.f32 v26, v21;
	v36 =	vmul.f32 v59, v36  }
0x1e4: {  	s11 =	simm.s32 $0x11060;
	v57 =	vor.u32 $0x100, v19;
	v52 =	vadd.f32 v61, v9;
	v53 =	vadd.f32 v39, v10;
	v26 =	vld [tilespmem:s15+$0x0]  }
0x1e5: {  	s12 =	simm.s32 $0x11860;
	s23 =	simm.s32 $0x60;
	v41 =	vadd.f32 v25, v24;
	v24 =	vld [tilespmem:s11+$0x0];
	v27 =	vmul.f32 v27, v47;
	v35 =	vadd.f32 v36, v35  }
0x1e6: {  	s24 =	sand.u32 $0x60, s23;
	s18 =	simm.s32 $0x12860;
	v54 =	vor.u32 $0x100, v16;
	v56 =	vor.u32 $0x280, v12;
	v25 =	vld [tilespmem:s12+$0x0];
	v55 =	vmul.f32 v58, v2  }
0x1e7: {  	s0 =	sand.u32 $0x780, s23;
	s2 =	sor.u32 $0x10, s24;
	v37 =	vmul.f32 v53, v45;
	v40 =	vmul.f32 v58, v4;
	v47 =	vadd.f32 v27, v63;
	v27 =	vld [tilespmem:s18+$0x0];
	[tilespmem:s5+$0x200] =	vst v35  }
0x1e8: {  	s28 =	sor.u32 s0, s2;
	v58 =	vor.u32 $0x100, v23;
	v30 =	vmul.f32 v32, v30;
	v48 =	vadd.f32 v55, v3;
	v38 =	vld.idx.msk [tilespmem:v60+s26+$0x0], $0xffff  }
0x1e9: {  	v36 =	vadd.f32 v37, v52;
	v32 =	vmul.f32 v32, v31;
	v31 =	vld [tilespmem:s28+$0x10800];
	v59 =	vadd.f32 v40, v0;
	[tilespmem:s9+$0x80] =	vst v47  }
0x1ea: {  	v28 =	vadd.f32 v30, v28;
	v46 =	vld.idx.msk [tilespmem:v62+s26+$0x0], $0xffff;
	v34 =	vmul.f32 v48, v34;
	v60 =	vor.u32 $0x280, v5  }
0x1eb: {  	v61 =	vor.u32 $0x280, v11;
	v30 =	vshll.u32 v50, $0x3;
	[tilespmem:s7+$0x80] =	vst v36;
	v32 =	vadd.f32 v32, v29;
	v35 =	vld.idx.msk [tilespmem:v56+s26+$0x0], $0xffff  }
0x1ec: {  	v29 =	vand.u32 $0xFFFFFC00, v42;
	v42 =	vld.idx.msk [tilespmem:v57+s26+$0x0], $0xffff;
	v33 =	vmul.f32 v28, v33;
	v34 =	vadd.f32 v34, v59  }
0x1ed: {  	v40 =	vld.idx.msk [tilespmem:v54+s26+$0x0], $0xffff;
	v28 =	vor.u32 v43, v29;
	v29 =	vand.u32 $0xFFFFFC00, v30;
	v30 =	vmul.f32 v38, v1  }
0x1ee: {  	v43 =	vld.idx.msk [tilespmem:v58+s26+$0x0], $0xffff;
	v29 =	vor.u32 v44, v29;
	v32 =	vadd.f32 v33, v32;
	[tilespmem:s22+$0x200] =	vst v34  }
0x1ef: {  	s30 =	sor.u32 $0x380, s19;
	v62 =	vmul.f32 v46, v18;
	v37 =	vld.idx.msk [tilespmem:v60+s26+$0x0], $0xffff;
	v63 =	vmul.f32 v38, v7;
	v30 =	vadd.f32 v30, v6  }
0x1f0: {  	s4 =	sor.u32 $0x380, s4;
	[tilespmem:s30+$0xC000] =	vst v41;
	v34 =	vshll.u32 v31, $0x3;
	v44 =	vmul.f32 v46, v20;
	v36 =	vld.idx.msk [tilespmem:v61+s26+$0x0], $0xffff;
	v38 =	vor.u32 $0x300, v14  }
0x1f1: {  	s19 =	simm.s32 $0x6;
	v33 =	vld [tilespmem:s28+$0x10000];
	[tilespmem:s4+$0xC000] =	vst v32;
	s4 =	simm.s32 $0x10080;
	v45 =	vadd.f32 v62, v17;
	v39 =	vadd.f32 v63, v8;
	v41 =	vmul.f32 v30, v35  }
.LBB2_5:
0x1f2: {  	v32 =	vld [tilespmem:s4+$0x0];
	v35 =	vand.u32 $0x7F, v31;
	v34 =	vand.u32 $0xFFFFFC00, v34;
	v46 =	vor.u32 $0x180, v22;
	v30 =	vmovc v26;
	v31 =	vmovc v2  }
0x1f3: {  	v48 =	vadd.f32 v44, v21;
	v47 =	vld.idx.msk [tilespmem:v28+s26+$0x0], $0xffff;
	v43 =	vmul.f32 v45, v43;
	v39 =	vadd.f32 v41, v39  }
0x1f4: {  	v50 =	vmul.f32 v42, v15;
	v44 =	vor.u32 v35, v34;
	v34 =	vmul.f32 v42, v13;
	v41 =	vld.idx.msk [tilespmem:v29+s26+$0x0], $0xffff  }
0x1f5: {  	v2 =	vmovc v15;
	v26 =	vld [tilespmem:s28+$0x11800];
	v42 =	vadd.f32 v43, v48;
	v43 =	vmul.f32 v37, v31;
	[tilespmem:s5+$0x280] =	vst v39;
	v39 =	vor.u32 $0x300, v12;
	s5 =	smov.u32 s9  }
0x1f6: {  	v15 =	vmovc v27;
	v50 =	vadd.f32 v50, v10;
	v48 =	vadd.f32 v34, v9;
	v45 =	vshll.u32 v33, $0x3;
	v38 =	vld.idx.msk [tilespmem:v38+s26+$0x0], $0xffff  }
0x1f7: {  	v35 =	vmovc v16;
	v16 =	vmovc v28;
	v27 =	vand.u32 $0x7F, v33;
	v34 =	vld [tilespmem:s28+$0x12800];
	v33 =	vand.u32 $0xFFFFFC00, v45;
	[tilespmem:s5+$0x100] =	vst v42;
	v42 =	vor.u32 $0x180, v23  }
0x1f8: {  	v28 =	vadd.f32 v43, v3;
	v45 =	vor.u32 v27, v33;
	v27 =	vmul.f32 v50, v40;
	v33 =	vld.idx.msk [tilespmem:v46+s26+$0x0], $0xffff  }
0x1f9: {  	v49 =	vmovc v5;
	v5 =	vmovc v19;
	v37 =	vmul.f32 v37, v4;
	v43 =	vor.u32 $0x180, v19;
	v46 =	vor.u32 $0x300, v11;
	v40 =	vld.idx.msk [tilespmem:v44+s26+$0x0], $0xffff  }
0x1fa: {  	v50 =	vmul.f32 v41, v30;
	v28 =	vmul.f32 v28, v36;
	v48 =	vadd.f32 v27, v48;
	v36 =	vld.idx.msk [tilespmem:v39+s26+$0x0], $0xffff  }
0x1fb: {  	v37 =	vadd.f32 v37, v0;
	v19 =	vmovc v29;
	v39 =	vmul.f32 v41, v15;
	v41 =	vor.u32 $0x180, v35;
	v27 =	vld [tilespmem:s28+$0x12000]  }
0x1fc: {  	v50 =	vadd.f32 v50, v24;
	[tilespmem:s7+$0x100] =	vst v48;
	v29 =	vld.idx.msk [tilespmem:v42+s26+$0x0], $0xffff;
	v42 =	vor.u32 $0x300, v49;
	v48 =	vmul.f32 v38, v1  }
0x1fd: {  	v51 =	vor.u32 $0x80, v19;
	v37 =	vadd.f32 v28, v37;
	v39 =	vadd.f32 v39, v25;
	v52 =	vld.idx.msk [tilespmem:v45+s26+$0x0], $0xffff  }
0x1fe: {  	s20 =	sadd.s32 $0x1, s20;
	v38 =	vmul.f32 v38, v7;
	v53 =	vmul.f32 v33, v18;
	v28 =	vld [tilespmem:s28+$0x11000];
	v48 =	vadd.f32 v48, v6  }
0x1ff: {  	s1 =	sand.u32 $0x3, s20;
	v33 =	vmul.f32 v33, v20;
	v54 =	vmul.f32 v40, v34;
	v43 =	vld.idx.msk [tilespmem:v43+s26+$0x0], $0xffff;
	[tilespmem:s22+$0x280] =	vst v37;
	v37 =	vor.u32 $0x380, v14;
	s22 =	smov.u32 s7  }
0x200: {  	s1 =	sshll.u32 s1, $0x5;
	v38 =	vadd.f32 v38, v8;
	v53 =	vadd.f32 v53, v17;
	v41 =	vld.idx.msk [tilespmem:v41+s26+$0x0], $0xffff;
	v36 =	vmul.f32 v48, v36  }
0x201: {  	s7 =	sadd.s32 s1, s21;
	v14 =	vmovc v22;
	s21 =	smov.u32 s6;
	v40 =	vmul.f32 v40, v27;
	v48 =	vadd.f32 v54, v26;
	v54 =	vor.u32 $0x200, v22;
	v42 =	vld.idx.msk [tilespmem:v42+s26+$0x0], $0xffff  }
0x202: {  	v55 =	vadd.f32 v33, v21;
	s1 =	sor.u32 $0x300, s7;
	s30 =	sor.u32 $0x380, s7;
	s28 =	sadd.s32 $0x10, s7;
	v29 =	vmul.f32 v53, v29;
	v46 =	vld.idx.msk [tilespmem:v46+s26+$0x0], $0xffff;
	v36 =	vadd.f32 v36, v38  }
0x203: {  	s10 =	sadd.s32 $0x20, s10;
	s6 =	sadd.s32 $0x100, s6;
	v22 =	vmovc v44;
	s7 =	sor.u32 $0x300, s28;
	v38 =	vadd.f32 v40, v28;
	v40 =	vmul.f32 v48, v52;
	v48 =	vor.u32 $0x80, v44  }
0x204: {  	v39 =	vmul.f32 v39, v47;
	s9 =	sand.u32 $0x3C00, s6;
	v44 =	vadd.f32 v29, v55;
	v33 =	vld [tilespmem:s10+$0x0];
	[tilespmem:s7+$0xC000] =	vst v36;
	v36 =	vor.u32 $0x380, v12;
	v12 =	vmovc v23  }
0x205: {  	s9 =	sor.u32 $0xC000, s9;
	v38 =	vadd.f32 v40, v38;
	v40 =	vmul.f32 v43, v13;
	v43 =	vmul.f32 v43, v2;
	v37 =	vld.idx.msk [tilespmem:v37+s26+$0x0], $0xffff  }
0x206: {  	v39 =	vadd.f32 v39, v50;
	v29 =	vand.u32 $0x7F, v32;
	s7 =	sor.u32 s24, s9;
	s9 =	sor.u32 s2, s9;
	v23 =	vmovc v45;
	[tilespmem:s5+$0x180] =	vst v44;
	v44 =	vor.u32 $0x200, v12  }
0x207: {  	v45 =	vor.u32 $0x80, v16;
	[tilespmem:s9+$0x0] =	vst v38;
	v38 =	vadd.f32 v40, v9;
	v40 =	vadd.f32 v43, v10;
	v43 =	vld.idx.msk [tilespmem:v54+s26+$0x0], $0xffff  }
0x208: {  	[tilespmem:s7+$0x0] =	vst v39;
	v39 =	vor.u32 $0x80, v23;
	v47 =	vld.idx.msk [tilespmem:v48+s26+$0x0], $0xffff;
	v48 =	vmul.f32 v42, v4;
	v42 =	vmul.f32 v42, v31  }
0x209: {  	v50 =	vshll.u32 v32, $0x3;
	v32 =	vand.u32 $0x7F, v33;
	v40 =	vmul.f32 v40, v41;
	v36 =	vld.idx.msk [tilespmem:v36+s26+$0x0], $0xffff  }
0x20a: {  	v41 =	vld.idx.msk [tilespmem:v51+s26+$0x0], $0xffff;
	v51 =	vor.u32 $0x200, v5;
	v48 =	vadd.f32 v48, v0;
	v42 =	vadd.f32 v42, v3  }
0x20b: {  	v52 =	vmul.f32 v37, v1;
	v1 =	vmovc v18;
	v38 =	vadd.f32 v40, v38;
	v40 =	vor.u32 $0x200, v35;
	v44 =	vld.idx.msk [tilespmem:v44+s26+$0x0], $0xffff  }
0x20c: {  	v49 =	vor.u32 $0x380, v49;
	v18 =	vmovc v34;
	v45 =	vld.idx.msk [tilespmem:v45+s26+$0x0], $0xffff;
	v42 =	vmul.f32 v42, v46;
	v46 =	vor.u32 $0x380, v11;
	v11 =	vmovc v35  }
0x20d: {  	v7 =	vmul.f32 v37, v7;
	v35 =	vmul.f32 v43, v1;
	v6 =	vadd.f32 v52, v6;
	v34 =	vld.idx.msk [tilespmem:v39+s26+$0x0], $0xffff  }
0x20e: {  	v37 =	vmul.f32 v47, v18;
	[tilespmem:s22+$0x180] =	vst v38;
	v38 =	vmul.f32 v43, v20;
	v39 =	vadd.f32 v42, v48  }
0x20f: {  	v7 =	vadd.f32 v7, v8;
	v35 =	vadd.f32 v35, v17;
	v48 =	vmul.f32 v6, v36;
	v42 =	vld.idx.msk [tilespmem:v51+s26+$0x0], $0xffff  }
0x210: {  	v8 =	vmul.f32 v47, v27;
	v36 =	vadd.f32 v37, v26;
	v37 =	vld.idx.msk [tilespmem:v40+s26+$0x0], $0xffff;
	v40 =	vor.u32 $0x280, v14;
	[tilespmem:s1+$0xC000] =	vst v39  }
0x211: {  	v38 =	vadd.f32 v38, v21;
	v35 =	vmul.f32 v35, v44;
	v39 =	vld.idx.msk [tilespmem:v49+s26+$0x0], $0xffff;
	v49 =	vadd.f32 v48, v7  }
0x212: {  	s11 =	sadd.s32 $0x20, s11;
	v43 =	vmul.f32 v41, v30;
	v41 =	vmul.f32 v41, v15;
	v44 =	vor.u32 $0x100, v22;
	s1 =	sor.u32 $0x380, s28;
	v6 =	vmovc v17;
	v46 =	vld.idx.msk [tilespmem:v46+s26+$0x0], $0xffff  }
0x213: {  	s12 =	sadd.s32 $0x20, s12;
	v51 =	vadd.f32 v8, v28;
	v34 =	vmul.f32 v36, v34;
	v35 =	vadd.f32 v35, v38;
	v47 =	vld [tilespmem:s11+$0x0];
	[tilespmem:s1+$0xC000] =	vst v49  }
0x214: {  	s15 =	sadd.s32 $0x20, s15;
	v17 =	vmovc v26;
	v41 =	vadd.f32 v41, v25;
	v48 =	vor.u32 $0x100, v16;
	v7 =	vmovc v20;
	v38 =	vadd.f32 v43, v24;
	v36 =	vld [tilespmem:s12+$0x0]  }
0x215: {  	s23 =	sadd.s32 $0x20, s23;
	v20 =	vmovc v27;
	v34 =	vadd.f32 v34, v51;
	v43 =	vmul.f32 v42, v2;
	v26 =	vld [tilespmem:s15+$0x0];
	[tilespmem:s5+$0x200] =	vst v35;
	v35 =	vor.u32 $0x280, v12  }
0x216: {  	s18 =	sadd.s32 $0x20, s18;
	s24 =	sand.u32 $0x60, s23;
	v8 =	vmovc v21;
	v41 =	vmul.f32 v41, v45;
	v45 =	vor.u32 $0x100, v19;
	v42 =	vmul.f32 v42, v13;
	v49 =	vld.idx.msk [tilespmem:v40+s26+$0x0], $0xffff  }
0x217: {  	s2 =	sor.u32 $0x10, s24;
	v21 =	vmovc v28;
	s1 =	sand.u32 $0x780, s23;
	v40 =	vadd.f32 v43, v10;
	v43 =	vmul.f32 v39, v31;
	v27 =	vld [tilespmem:s18+$0x0];
	[tilespmem:s9+$0x80] =	vst v34;
	v34 =	vor.u32 $0x100, v23  }
0x218: {  	s28 =	sor.u32 s1, s2;
	v28 =	vadd.f32 v41, v38;
	v41 =	vadd.f32 v42, v9;
	v4 =	vmul.f32 v39, v4;
	v38 =	vld.idx.msk [tilespmem:v44+s26+$0x0], $0xffff  }
0x219: {  	v39 =	vor.u32 $0x280, v5;
	v37 =	vmul.f32 v40, v37;
	v40 =	vadd.f32 v43, v3;
	v3 =	vmovc v10;
	v10 =	vmovc v25;
	v31 =	vld [tilespmem:s28+$0x10800]  }
0x21a: {  	s19 =	sadd.s32 $0x2, s19;
	v25 =	vshll.u32 v33, $0x3;
	v33 =	vor.u32 $0x280, v11;
	v4 =	vadd.f32 v4, v0;
	v0 =	vmovc v9;
	[tilespmem:s7+$0x80] =	vst v28;
	v35 =	vld.idx.msk [tilespmem:v35+s26+$0x0], $0xffff  }
0x21b: {  	p0 =	slt.u32 s19, $0x7E;
	v9 =	vmovc v24;
	v28 =	vand.u32 $0xFFFFFC00, v50;
	v37 =	vadd.f32 v37, v41;
	v41 =	vmul.f32 v40, v46;
	v42 =	vld.idx.msk [tilespmem:v45+s26+$0x0], $0xffff  }
.Ltmp1:
0x21c: {  	v24 =	vmovc v47;
	v44 =	vand.u32 $0xFFFFFC00, v25;
	v28 =	vor.u32 v29, v28;
	v43 =	vld.idx.msk [tilespmem:v34+s26+$0x0], $0xffff;
	v34 =	vmul.f32 v49, v1;
	(pc) =	sbr.rel @p0 .LBB2_5-.Ltmp1, $4  }
0x21d: {  	v29 =	vor.u32 v32, v44;
	v25 =	vmov v36;
	v45 =	vadd.f32 v41, v4;
	v40 =	vld.idx.msk [tilespmem:v48+s26+$0x0], $0xffff;
	[tilespmem:s22+$0x200] =	vst v37  }
0x21e: {  	v32 =	vmul.f32 v38, v18;
	v37 =	vld.idx.msk [tilespmem:v39+s26+$0x0], $0xffff;
	v39 =	vmul.f32 v49, v7;
	v41 =	vadd.f32 v34, v6  }
0x21f: {  	v4 =	vmovc v13;
	v44 =	vmul.f32 v38, v20;
	v38 =	vor.u32 $0x300, v14;
	v34 =	vshll.u32 v31, $0x3;
	v36 =	vld.idx.msk [tilespmem:v33+s26+$0x0], $0xffff;
	[tilespmem:s30+$0xC000] =	vst v45  }
0x220: {  	s4 =	sadd.s32 $0x20, s4;
	v13 =	vmovc v30;
	v45 =	vadd.f32 v32, v17;
	v33 =	vld [tilespmem:s28+$0x10000];
	v39 =	vadd.f32 v39, v8;
	v41 =	vmul.f32 v41, v35  }
0x221: {  	_ = 	snop  }
0x222: {  	v30 =	vand.u32 $0x7F, v31;
	v60 =	vand.u32 $0xFFFFFC00, v34  }
0x223: {  	v35 =	vor.u32 v30, v60;
	_ =	sdelay $0x1  }
0x224: {  	v61 =	vshll.u32 v33, $0x3  }
0x225: {  	v46 =	vld.idx.msk [tilespmem:v29+s26+$0x0], $0xffff;
	v62 =	vand.u32 $0x7F, v33;
	v30 =	vand.u32 $0xFFFFFC00, v61  }
0x226: {  	v33 =	vld [tilespmem:s28+$0x12800];
	v34 =	vor.u32 v62, v30  }
0x227: {  	v47 =	vld.idx.msk [tilespmem:v35+s26+$0x0], $0xffff  }
0x228: {  	v31 =	vld [tilespmem:s28+$0x11800]  }
0x229: {  	v32 =	vld [tilespmem:s28+$0x12000]  }
0x22a: {  	v30 =	vld [tilespmem:s28+$0x11000]  }
0x22b: {  	v48 =	vld.idx.msk [tilespmem:v34+s26+$0x0], $0xffff  }
0x22c: {  	v49 =	vld.idx.msk [tilespmem:v28+s26+$0x0], $0xffff;
	v50 =	vmul.f32 v47, v33  }
0x22d: {  	v51 =	vmul.f32 v46, v27  }
0x22e: {  	v47 =	vmul.f32 v47, v32;
	v50 =	vadd.f32 v50, v31  }
0x22f: {  	v46 =	vmul.f32 v46, v26;
	v51 =	vadd.f32 v51, v25  }
0x230: {  	s4 =	sadd.s32 $0x100, s6;
	v63 =	vor.u32 $0x80, v35;
	v47 =	vadd.f32 v47, v30;
	v48 =	vmul.f32 v50, v48  }
0x231: {  	v52 =	vor.u32 $0x80, v29;
	s1 =	sand.u32 $0x3C00, s4;
	v46 =	vadd.f32 v46, v24;
	v49 =	vmul.f32 v51, v49  }
0x232: {  	s1 =	sor.u32 $0xC000, s1;
	v47 =	vadd.f32 v48, v47  }
0x233: {  	s10 =	sor.u32 s2, s1;
	v46 =	vadd.f32 v49, v46  }
0x234: {  	s19 =	sor.u32 s24, s1;
	v53 =	vor.u32 $0x80, v34;
	[tilespmem:s10+$0x0] =	vst v47  }
0x235: {  	v54 =	vor.u32 $0x80, v28;
	[tilespmem:s19+$0x0] =	vst v46;
	v55 =	vld.idx.msk [tilespmem:v63+s26+$0x0], $0xffff  }
0x236: {  	v56 =	vld.idx.msk [tilespmem:v52+s26+$0x0], $0xffff;
	_ =	sdelay $0x2  }
0x237: {  	v47 =	vld.idx.msk [tilespmem:v53+s26+$0x0], $0xffff  }
0x238: {  	v48 =	vld.idx.msk [tilespmem:v54+s26+$0x0], $0xffff;
	v50 =	vmul.f32 v55, v33  }
0x239: {  	v57 =	vmul.f32 v56, v27  }
0x23a: {  	v46 =	vmul.f32 v55, v32;
	v50 =	vadd.f32 v50, v31  }
0x23b: {  	v49 =	vmul.f32 v56, v26;
	v51 =	vadd.f32 v57, v25  }
0x23c: {  	v58 =	vor.u32 $0x100, v35;
	v46 =	vadd.f32 v46, v30;
	v47 =	vmul.f32 v50, v47  }
0x23d: {  	v59 =	vor.u32 $0x100, v29;
	v49 =	vadd.f32 v49, v24;
	v48 =	vmul.f32 v51, v48  }
0x23e: {  	v46 =	vadd.f32 v47, v46  }
0x23f: {  	v60 =	vadd.f32 v48, v49  }
0x240: {  	v61 =	vor.u32 $0x100, v34;
	[tilespmem:s10+$0x80] =	vst v46  }
0x241: {  	v62 =	vor.u32 $0x100, v28;
	v54 =	vmul.f32 v42, v15;
	[tilespmem:s19+$0x80] =	vst v60;
	v49 =	vld.idx.msk [tilespmem:v58+s26+$0x0], $0xffff  }
0x242: {  	v44 =	vadd.f32 v44, v21;
	v50 =	vld.idx.msk [tilespmem:v59+s26+$0x0], $0xffff  }
0x243: {  	v43 =	vmul.f32 v45, v43;
	v56 =	vadd.f32 v54, v10;
	v63 =	vor.u32 $0x180, v22  }
0x244: {  	v55 =	vmul.f32 v42, v13  }
0x245: {  	v43 =	vadd.f32 v43, v44;
	v40 =	vmul.f32 v56, v40;
	v57 =	vld.idx.msk [tilespmem:v61+s26+$0x0], $0xffff  }
0x246: {  	v42 =	vadd.f32 v55, v9;
	v59 =	vld.idx.msk [tilespmem:v62+s26+$0x0], $0xffff;
	v58 =	vor.u32 $0x180, v19;
	v60 =	vmul.f32 v49, v33  }
0x247: {  	[tilespmem:s9+$0x100] =	vst v43;
	v61 =	vor.u32 $0x180, v23;
	v62 =	vmul.f32 v50, v27  }
0x248: {  	v40 =	vadd.f32 v40, v42;
	v47 =	vld.idx.msk [tilespmem:v63+s26+$0x0], $0xffff;
	v63 =	vmul.f32 v49, v32;
	v48 =	vadd.f32 v60, v31  }
0x249: {  	v54 =	vor.u32 $0x180, v16;
	v50 =	vmul.f32 v50, v26;
	v51 =	vadd.f32 v62, v25  }
0x24a: {  	v55 =	vor.u32 $0x180, v35;
	[tilespmem:s7+$0x100] =	vst v40;
	v42 =	vadd.f32 v63, v30;
	v44 =	vmul.f32 v48, v57  }
0x24b: {  	v56 =	vadd.f32 v50, v24;
	v46 =	vmul.f32 v51, v59;
	v45 =	vld.idx.msk [tilespmem:v58+s26+$0x0], $0xffff;
	v57 =	vor.u32 $0x180, v29  }
0x24c: {  	v43 =	vld.idx.msk [tilespmem:v61+s26+$0x0], $0xffff;
	v42 =	vadd.f32 v44, v42  }
0x24d: {  	v58 =	vmul.f32 v47, v18;
	v46 =	vadd.f32 v46, v56  }
0x24e: {  	v59 =	vld.idx.msk [tilespmem:v54+s26+$0x0], $0xffff;
	v60 =	vor.u32 $0x180, v34;
	[tilespmem:s10+$0x100] =	vst v42  }
0x24f: {  	v47 =	vmul.f32 v47, v20;
	v61 =	vor.u32 $0x180, v28;
	[tilespmem:s19+$0x100] =	vst v46;
	v44 =	vadd.f32 v58, v17;
	v40 =	vld.idx.msk [tilespmem:v55+s26+$0x0], $0xffff  }
0x250: {  	v63 =	vmul.f32 v45, v15;
	v50 =	vld.idx.msk [tilespmem:v57+s26+$0x0], $0xffff  }
0x251: {  	v62 =	vor.u32 $0x200, v22;
	v47 =	vadd.f32 v47, v21;
	v43 =	vmul.f32 v44, v43  }
0x252: {  	v52 =	vmul.f32 v45, v13;
	v53 =	vadd.f32 v63, v10  }
0x253: {  	v54 =	vor.u32 $0x200, v19;
	v42 =	vld.idx.msk [tilespmem:v60+s26+$0x0], $0xffff;
	v43 =	vadd.f32 v43, v47  }
0x254: {  	v49 =	vld.idx.msk [tilespmem:v61+s26+$0x0], $0xffff;
	v44 =	vadd.f32 v52, v9;
	v45 =	vmul.f32 v53, v59;
	v55 =	vmul.f32 v40, v33  }
0x255: {  	v56 =	vor.u32 $0x200, v23;
	[tilespmem:s9+$0x180] =	vst v43;
	v57 =	vmul.f32 v50, v27  }
0x256: {  	v44 =	vadd.f32 v45, v44;
	v46 =	vld.idx.msk [tilespmem:v62+s26+$0x0], $0xffff;
	v40 =	vmul.f32 v40, v32;
	v58 =	vadd.f32 v55, v31  }
0x257: {  	v59 =	vor.u32 $0x200, v16;
	v50 =	vmul.f32 v50, v26;
	v51 =	vadd.f32 v57, v25  }
0x258: {  	v60 =	vor.u32 $0x200, v35;
	[tilespmem:s7+$0x180] =	vst v44;
	v40 =	vadd.f32 v40, v30;
	v42 =	vmul.f32 v58, v42  }
0x259: {  	v63 =	vor.u32 $0x200, v29;
	v61 =	vld.idx.msk [tilespmem:v54+s26+$0x0], $0xffff;
	v62 =	vadd.f32 v50, v24;
	v49 =	vmul.f32 v51, v49  }
0x25a: {  	v43 =	vld.idx.msk [tilespmem:v56+s26+$0x0], $0xffff;
	v40 =	vadd.f32 v42, v40  }
0x25b: {  	v57 =	vmul.f32 v37, v2;
	v53 =	vmul.f32 v46, v18;
	v47 =	vadd.f32 v49, v62  }
0x25c: {  	v39 =	vadd.f32 v41, v39;
	v54 =	vld.idx.msk [tilespmem:v59+s26+$0x0], $0xffff;
	v55 =	vor.u32 $0x200, v34;
	v46 =	vmul.f32 v46, v20;
	[tilespmem:s10+$0x180] =	vst v40  }
0x25d: {  	v56 =	vor.u32 $0x200, v28;
	v45 =	vadd.f32 v57, v3;
	v42 =	vadd.f32 v53, v17;
	[tilespmem:s19+$0x180] =	vst v47;
	v44 =	vld.idx.msk [tilespmem:v60+s26+$0x0], $0xffff  }
0x25e: {  	v58 =	vor.u32 $0x280, v22;
	v51 =	vor.u32 $0x300, v12;
	v59 =	vmul.f32 v61, v15;
	v50 =	vld.idx.msk [tilespmem:v63+s26+$0x0], $0xffff  }
0x25f: {  	v46 =	vadd.f32 v46, v21;
	v36 =	vmul.f32 v45, v36;
	v42 =	vmul.f32 v42, v43  }
0x260: {  	v60 =	vmul.f32 v61, v13;
	v61 =	vadd.f32 v59, v10;
	v63 =	vor.u32 $0x280, v19  }
0x261: {  	[tilespmem:s5+$0x280] =	vst v39;
	v40 =	vld.idx.msk [tilespmem:v55+s26+$0x0], $0xffff;
	v55 =	vor.u32 $0x280, v23;
	v59 =	vor.u32 $0x280, v16;
	v42 =	vadd.f32 v42, v46  }
0x262: {  	v53 =	vld.idx.msk [tilespmem:v56+s26+$0x0], $0xffff;
	v43 =	vadd.f32 v60, v9;
	v62 =	vmul.f32 v61, v54;
	v52 =	vmul.f32 v44, v33  }
0x263: {  	v54 =	vmul.f32 v37, v4;
	v60 =	vor.u32 $0x280, v35;
	[tilespmem:s9+$0x200] =	vst v42;
	v56 =	vmul.f32 v50, v27  }
0x264: {  	v49 =	vld.idx.msk [tilespmem:v58+s26+$0x0], $0xffff;
	v39 =	vadd.f32 v62, v43;
	v57 =	vmul.f32 v44, v32;
	v58 =	vadd.f32 v52, v31  }
0x265: {  	v38 =	vld.idx.msk [tilespmem:v38+s26+$0x0], $0xffff;
	v37 =	vadd.f32 v54, v0;
	v50 =	vmul.f32 v50, v26;
	v48 =	vadd.f32 v56, v25  }
0x266: {  	v62 =	vor.u32 $0x280, v29;
	v42 =	vld.idx.msk [tilespmem:v55+s26+$0x0], $0xffff;
	v43 =	vadd.f32 v57, v30;
	v40 =	vmul.f32 v58, v40  }
0x267: {  	[tilespmem:s7+$0x200] =	vst v39;
	v36 =	vadd.f32 v36, v37;
	v61 =	vadd.f32 v50, v24;
	v47 =	vmul.f32 v48, v53  }
0x268: {  	v41 =	vld.idx.msk [tilespmem:v63+s26+$0x0], $0xffff;
	v40 =	vadd.f32 v40, v43  }
0x269: {  	v14 =	vor.u32 $0x380, v14;
	v50 =	vor.u32 $0x300, v11;
	v63 =	vld.idx.msk [tilespmem:v51+s26+$0x0], $0xffff;
	[tilespmem:s22+$0x280] =	vst v36;
	v44 =	vadd.f32 v47, v61  }
0x26a: {  	v56 =	vmul.f32 v38, v1;
	v46 =	vld.idx.msk [tilespmem:v59+s26+$0x0], $0xffff;
	v57 =	vor.u32 $0x280, v34;
	v59 =	vmul.f32 v38, v7;
	[tilespmem:s10+$0x200] =	vst v40  }
0x26b: {  	v36 =	vor.u32 $0x300, v23;
	v55 =	vmul.f32 v49, v18;
	v58 =	vor.u32 $0x280, v28;
	[tilespmem:s19+$0x200] =	vst v44;
	v39 =	vld.idx.msk [tilespmem:v60+s26+$0x0], $0xffff  }
0x26c: {  	v49 =	vmul.f32 v49, v20;
	v37 =	vadd.f32 v59, v8;
	v59 =	vor.u32 $0x300, v35;
	v44 =	vld.idx.msk [tilespmem:v62+s26+$0x0], $0xffff  }
0x26d: {  	v47 =	vor.u32 $0x300, v5;
	v45 =	vadd.f32 v55, v17;
	v61 =	vadd.f32 v56, v6  }
0x26e: {  	v49 =	vadd.f32 v49, v21;
	v55 =	vor.u32 $0x300, v19;
	v60 =	vmul.f32 v41, v15  }
0x26f: {  	v42 =	vmul.f32 v45, v42;
	v62 =	vor.u32 $0x300, v22;
	v41 =	vmul.f32 v41, v13;
	v40 =	vld.idx.msk [tilespmem:v57+s26+$0x0], $0xffff  }
0x270: {  	v43 =	vmul.f32 v61, v63;
	v54 =	vld.idx.msk [tilespmem:v58+s26+$0x0], $0xffff;
	v38 =	vadd.f32 v60, v10;
	v63 =	vmul.f32 v39, v33  }
0x271: {  	v42 =	vadd.f32 v42, v49;
	v41 =	vadd.f32 v41, v9;
	v56 =	vmul.f32 v44, v27  }
0x272: {  	v47 =	vld.idx.msk [tilespmem:v47+s26+$0x0], $0xffff;
	v38 =	vmul.f32 v38, v46;
	v39 =	vmul.f32 v39, v32;
	v46 =	vadd.f32 v63, v31  }
0x273: {  	v57 =	vor.u32 $0x300, v16;
	[tilespmem:s9+$0x280] =	vst v42;
	v44 =	vmul.f32 v44, v26;
	v58 =	vadd.f32 v56, v25  }
0x274: {  	v45 =	vld.idx.msk [tilespmem:v62+s26+$0x0], $0xffff;
	v38 =	vadd.f32 v38, v41;
	v39 =	vadd.f32 v39, v30;
	v40 =	vmul.f32 v46, v40  }
0x275: {  	s20 =	sadd.s32 $0x1, s20;
	v60 =	vld.idx.msk [tilespmem:v50+s26+$0x0], $0xffff;
	v62 =	vadd.f32 v44, v24;
	v63 =	vor.u32 $0x300, v29;
	v61 =	vmul.f32 v58, v54  }
0x276: {  	v12 =	vor.u32 $0x380, v12;
	s22 =	sand.u32 $0x3, s20;
	v35 =	vor.u32 $0x380, v35;
	v36 =	vld.idx.msk [tilespmem:v36+s26+$0x0], $0xffff;
	[tilespmem:s7+$0x280] =	vst v38;
	v39 =	vadd.f32 v40, v39  }
0x277: {  	s5 =	sshll.u32 s22, $0x5;
	v37 =	vadd.f32 v43, v37;
	v52 =	vmul.f32 v47, v2;
	v49 =	vld.idx.msk [tilespmem:v55+s26+$0x0], $0xffff;
	v38 =	vadd.f32 v61, v62  }
0x278: {  	s5 =	sadd.s32 s5, s21;
	v50 =	vor.u32 $0x380, v23;
	v53 =	vmul.f32 v47, v4;
	v56 =	vor.u32 $0x300, v34;
	v42 =	vld.idx.msk [tilespmem:v57+s26+$0x0], $0xffff;
	[tilespmem:s10+$0x280] =	vst v39  }
0x279: {  	s23 =	sadd.s32 $0x10, s5;
	v54 =	vadd.f32 v52, v3;
	v58 =	vor.u32 $0x300, v28;
	v55 =	vmul.f32 v45, v18;
	[tilespmem:s19+$0x280] =	vst v38;
	v57 =	vld.idx.msk [tilespmem:v59+s26+$0x0], $0xffff  }
0x27a: {  	s24 =	sor.u32 $0x300, s23;
	v46 =	vor.u32 $0x380, v22;
	v40 =	vadd.f32 v53, v0;
	v61 =	vor.u32 $0x380, v11;
	v44 =	vld.idx.msk [tilespmem:v63+s26+$0x0], $0xffff  }
0x27b: {  	[tilespmem:s24+$0xC000] =	vst v37;
	v62 =	vor.u32 $0x380, v5;
	v43 =	vadd.f32 v55, v17;
	v59 =	vmul.f32 v54, v60  }
0x27c: {  	v14 =	vld.idx.msk [tilespmem:v14+s26+$0x0], $0xffff;
	v55 =	vor.u32 $0x380, v19;
	v60 =	vmul.f32 v45, v20;
	v63 =	vmul.f32 v49, v15  }
0x27d: {  	s28 =	sadd.s32 $0x1, s20;
	v36 =	vmul.f32 v43, v36;
	v49 =	vmul.f32 v49, v13;
	v39 =	vld.idx.msk [tilespmem:v56+s26+$0x0], $0xffff;
	v38 =	vadd.f32 v59, v40  }
0x27e: {  	s0 =	sand.u32 $0x3, s28;
	v52 =	vld.idx.msk [tilespmem:v58+s26+$0x0], $0xffff;
	v45 =	vadd.f32 v60, v21;
	v37 =	vadd.f32 v63, v10;
	v51 =	vmul.f32 v57, v33  }
0x27f: {  	s30 =	sor.u32 $0x300, s5;
	v12 =	vld.idx.msk [tilespmem:v12+s26+$0x0], $0xffff;
	s10 =	sshll.u32 s0, $0x5;
	v53 =	vadd.f32 v49, v9;
	v60 =	vor.u32 $0x380, v29;
	v54 =	vmul.f32 v44, v27  }
0x280: {  	s11 =	sadd.s32 $0x1, s28;
	s1 =	sadd.s32 s10, s6;
	v36 =	vadd.f32 v36, v45;
	[tilespmem:s30+$0xC000] =	vst v38;
	v56 =	vmul.f32 v57, v32;
	v40 =	vadd.f32 v51, v31  }
0x281: {  	s6 =	sand.u32 $0x3, s11;
	s12 =	sadd.s32 $0x10, s1;
	v37 =	vmul.f32 v37, v42;
	v5 =	vld.idx.msk [tilespmem:v62+s26+$0x0], $0xffff;
	v57 =	vmul.f32 v44, v26;
	v41 =	vadd.f32 v54, v25  }
0x282: {  	s6 =	sshll.u32 s6, $0x5;
	s15 =	sor.u32 $0x300, s12;
	v11 =	vld.idx.msk [tilespmem:v61+s26+$0x0], $0xffff;
	v61 =	vmul.f32 v14, v1;
	v42 =	vadd.f32 v56, v30;
	v39 =	vmul.f32 v40, v39  }
0x283: {  	s4 =	sadd.s32 s6, s4;
	v37 =	vadd.f32 v37, v53;
	[tilespmem:s15+$0xC000] =	vst v36;
	v58 =	vadd.f32 v57, v24;
	v59 =	vmul.f32 v41, v52  }
0x284: {  	s18 =	sor.u32 $0x300, s1;
	s19 =	sadd.s32 $0x10, s4;
	v22 =	vld.idx.msk [tilespmem:v46+s26+$0x0], $0xffff;
	v39 =	vadd.f32 v39, v42  }
0x285: {  	v63 =	vor.u32 $0x380, v16;
	s20 =	sor.u32 $0x300, s19;
	v23 =	vld.idx.msk [tilespmem:v50+s26+$0x0], $0xffff;
	v1 =	vadd.f32 v61, v6;
	[tilespmem:s18+$0xC000] =	vst v37;
	v36 =	vadd.f32 v59, v58  }
0x286: {  	s21 =	sor.u32 $0x300, s4;
	v40 =	vmul.f32 v14, v7;
	v41 =	vld.idx.msk [tilespmem:v55+s26+$0x0], $0xffff;
	v62 =	vmul.f32 v5, v2;
	v42 =	vor.u32 $0x380, v34;
	[tilespmem:s20+$0xC000] =	vst v39  }
0x287: {  	v45 =	vor.u32 $0x380, v28;
	v1 =	vmul.f32 v1, v12;
	[tilespmem:s21+$0xC000] =	vst v36;
	v44 =	vld.idx.msk [tilespmem:v35+s26+$0x0], $0xffff  }
0x288: {  	v43 =	vmul.f32 v5, v4;
	v7 =	vadd.f32 v40, v8;
	v2 =	vadd.f32 v62, v3;
	v46 =	vld.idx.msk [tilespmem:v60+s26+$0x0], $0xffff  }
0x289: {  	v48 =	vmul.f32 v22, v18;
	v49 =	vmul.f32 v22, v20  }
0x28a: {  	v50 =	vld.idx.msk [tilespmem:v63+s26+$0x0], $0xffff;
	v47 =	vadd.f32 v43, v0;
	v1 =	vadd.f32 v1, v7;
	v2 =	vmul.f32 v2, v11  }
0x28b: {  	v51 =	vadd.f32 v48, v17;
	v52 =	vmul.f32 v41, v15;
	v7 =	vadd.f32 v49, v21;
	v53 =	vld.idx.msk [tilespmem:v42+s26+$0x0], $0xffff  }
0x28c: {  	v6 =	vmul.f32 v41, v13;
	v5 =	vld.idx.msk [tilespmem:v45+s26+$0x0], $0xffff;
	v0 =	vadd.f32 v2, v47;
	v54 =	vmul.f32 v44, v33  }
0x28d: {  	v2 =	vmul.f32 v51, v23;
	v4 =	vadd.f32 v52, v10;
	v55 =	vmul.f32 v46, v27  }
0x28e: {  	v6 =	vadd.f32 v6, v9;
	v3 =	vmul.f32 v44, v32;
	v56 =	vadd.f32 v54, v31  }
0x28f: {  	s22 =	sor.u32 $0x380, s23;
	v4 =	vmul.f32 v4, v50;
	v8 =	vmul.f32 v46, v26;
	v10 =	vadd.f32 v55, v25  }
0x290: {  	s16 =	sadd.s32 $0x1, s16;
	s5 =	sor.u32 $0x380, s5;
	[tilespmem:s22+$0xC000] =	vst v1;
	v57 =	vadd.f32 v2, v7;
	v58 =	vadd.f32 v3, v30;
	v59 =	vmul.f32 v56, v53  }
0x291: {  	p0 =	sne.s32 s16, $0x8;
	s2 =	sor.u32 $0x380, s12;
	[tilespmem:s5+$0xC000] =	vst v0;
	v60 =	vadd.f32 v4, v6;
	v61 =	vadd.f32 v8, v24;
	v5 =	vmul.f32 v10, v5  }
.Ltmp2:
0x292: {  	s1 =	sor.u32 $0x380, s1;
	[tilespmem:s2+$0xC000] =	vst v57;
	v62 =	vadd.f32 v59, v58;
	(pc) =	sbr.rel @p0 .LBB2_2-.Ltmp2, $4  }
0x293: {  	s23 =	sor.u32 $0x380, s19;
	[tilespmem:s1+$0xC000] =	vst v60;
	v63 =	vadd.f32 v5, v61  }
0x294: {  	s0 =	rddreg [dreg:$0x2];
	s24 =	sor.u32 $0x380, s4;
	[tilespmem:s23+$0xC000] =	vst v62  }
0x295: {  	s28 =	sadd.s32 s0, s17;
	s30 =	simm.s32 $0xC000;
	[tilespmem:s24+$0xC000] =	vst v63  }
0x296: {  	[hbm4b:s28+s3] =	stream.linear.scatter [tilespmem:s30], [sflag:$0x4], $0x4000, $0x38;
	[tilespmem:$0x13000] =	vst v63  }
0x297: {  	s0 =	simm.s32 $0x3  }
0x298: {  	_ =	swait.ge [sflag:s0], $0x4000  }
0x299: {  	[sflag:s0] =	ssyncset.done $0x0  }
0x29a: {  	s1 =	simm.s32 $0x4;
	[sflag:s0] =	ssyncadd.s32 $0xFFFFC000  }
0x29b: {  	_ =	swait.ge [sflag:s1], $0x4000  }
0x29c: {  	s2 =	rddreg [dreg:$0xc]  }
0x29d: {  	s30 =	rddreg [dreg:$0xb];
	s2 =	sadd.s32 $0x1, s2  }
0x29e: {  	p0 =	sne.s32 s2, s30  }
.Ltmp3:
0x29f: {  	_ = 	snop;
	(pc) =	sbr.rel @p0 .LBB2_1-.Ltmp3, $3  }
0x2a0: {  	_ =	sdelay $0x1  }
0x2a1: {  	[sflag:s1] =	ssyncset.done $0x0  }
0x2a2: {  	[sflag:s1] =	ssyncadd.s32 $0xFFFFC000  }
0x2a3: {  	_ =	sfence.sel $0x180000  }
0x2a4: {  	[bflag:$0x0] =	sbarrier.arrive $0xFFFF  }
0x2a5: {  	_ =	strace $0x90000047  }
0x2a6: {  	s0 =	stileid.u32;
	[bflag:$0x2] =	sbarrier.arrive $0xFFFF  }
0x2a7: {  	p0 =	sne.s32 s0, $0x0;
	s0 =	rddreg [dreg:$0x3]  }
0x2a8: {  	s0 =	sadd.s32 @!p0 $0x100000, s0  }
0x2a9: {  	[sflag:s0] =	ssyncadd.tile.s32 @!p0 $0x1;
	_ =	shalt  }
.Lfunc_end2:
_tile_overlayer_lowered:
.L_overlay_start_2:
0x2aa: {  	(tag) =	ssettag $0x2  }
0x2ab: {  	s0 =	rddreg [dreg:$0x0];
	s2 =	stileid.u32  }
0x2ac: {  	s1 =	rddreg [dreg:$0x1];
	p0 =	sne.s32 s2, $0x0  }
0x2ad: {  	s3 =	rddreg [dreg:$0x2];
	[bflag:$0x3] =	sbarrier.arrive $0xFFFF;
	s2 =	simm.s32 @!p0 $0x1C06  }
0x2ae: {  	[timem:s3], [sflag:s2] =	dma.local @!p0 [hbm:s0], s1  }
0x2af: {  	s0 =	simm.s32 @!p0 $0x6  }
0x2b0: {  	_ =	swait.ge @!p0 [sflag:s0], s1  }
0x2b1: {  	s1 =	ssub.s32 @!p0 $0x0, s1;
	[sflag:s0] =	ssyncset.done @!p0 $0x0  }
0x2b2: {  	[sflag:s0] =	ssyncadd.s32 @!p0 s1  }
0x2b3: {  	[bflag:$0x3] =	sbarrier.arrive $0xFFFF  }
0x2b4: {  	_ =	shalt  }

</sc_bundles>
